<compile_context>
chip_gen: v7x
topology: tpu7x:2x2x1
jax: 0.10.2.dev20260603
libtpu: 0.0.44.dev20260713+nightly
codegen_flags: <defaults>
</compile_context>

<pallas_src>
import functools

import jax
import jax.numpy as jnp
import numpy as np
from jax import lax
from jax.experimental import pallas as pl
from jax.experimental.pallas import tpu as pltpu
from jax.experimental.pallas import tpu_sc as plsc

VOCAB = 50001
D_MODEL = 128
B = 4
L = 2048

NC = 2
NS = 16
NW = NC * NS
N_ROWS = B * L
CHUNK = L // NW
N_LANE_SL = D_MODEL // 16


def _pos_encoding(seq_len, d_model):
    pos = jnp.arange(seq_len, dtype=jnp.float32)[:, None]
    div = jnp.exp(jnp.arange(0, d_model, 2, dtype=jnp.float32)
                  * (-np.log(10000.0) / d_model))
    pe = jnp.zeros((seq_len, d_model), dtype=jnp.float32)
    pe = pe.at[:, 0::2].set(jnp.sin(pos * div))
    pe = pe.at[:, 1::2].set(jnp.cos(pos * div))
    return pe


@functools.partial(
    pl.kernel,
    out_type=jax.ShapeDtypeStruct((N_ROWS, D_MODEL), jnp.float32),
    mesh=plsc.VectorSubcoreMesh(core_axis_name="c", subcore_axis_name="s"),
    scratch_types=[
        pltpu.VMEM((B, CHUNK), jnp.int32),
        pltpu.VMEM((B * CHUNK, D_MODEL), jnp.float32),
        pltpu.VMEM((CHUNK, D_MODEL), jnp.float32),
        pltpu.SemaphoreType.DMA((B,)),
        pltpu.SemaphoreType.DMA,
        pltpu.SemaphoreType.DMA((B,)),
        pltpu.SemaphoreType.DMA((B,)),
    ],
)
def _sc_embed(x_hbm, pe_hbm, table_hbm, out_hbm, idx_v, rows_v, pe_v,
              isems, psem, gsems, ssems):
    w = lax.axis_index("s") * NC + lax.axis_index("c")
    col = w * CHUNK
    idx_cps = [
        pltpu.async_copy(x_hbm.at[j, pl.ds(col, CHUNK)], idx_v.at[j],
                         isems.at[j])
        for j in range(B)
    ]
    pe_cp = pltpu.async_copy(pe_hbm.at[pl.ds(col, CHUNK)], pe_v, psem)
    g_cps = []
    for j in range(B):
        idx_cps[j].wait()
        g_cps.append(
            pltpu.async_copy(table_hbm.at[idx_v.at[j]],
                             rows_v.at[pl.ds(j * CHUNK, CHUNK)],
                             gsems.at[j]))
    pe_cp.wait()
    s_cps = []
    for jj in range(B // 2):
        g_cps[2 * jj].wait()
        g_cps[2 * jj + 1].wait()

        def add_row(r, carry, jj=jj):
            for t in range(N_LANE_SL):
                sl = pl.ds(t * 16, 16)
                pv = pe_v[r, sl]
                rows_v[jj * 2 * CHUNK + r, sl] = (
                    rows_v[jj * 2 * CHUNK + r, sl] + pv)
                rows_v[jj * 2 * CHUNK + CHUNK + r, sl] = (
                    rows_v[jj * 2 * CHUNK + CHUNK + r, sl] + pv)
            return carry

        lax.fori_loop(0, CHUNK, add_row, 0)
        for h in range(2):
            s_cps.append(
                pltpu.async_copy(
                    rows_v.at[pl.ds((jj * 2 + h) * CHUNK, CHUNK)],
                    out_hbm.at[pl.ds((2 * jj + h) * L + col, CHUNK)],
                    ssems.at[2 * jj + h]))
    for cp in s_cps:
        cp.wait()


def kernel(x, tgt, emb_src, emb_tgt):
    del tgt, emb_tgt
    pe = _pos_encoding(L, D_MODEL)
    out = _sc_embed(x, pe, emb_src)
    return out.reshape(B, L, D_MODEL)

# --- scband reference (transcript-rebuilt; emitter-appended) ---
"""Pipeline reference for scband-open-layer-42786464203529 (READ-ONLY COPY).

The authoritative reference and input builder live on the scoring server;
editing this copy changes nothing except your own understanding.
"""

import jax, jax.numpy as jnp
import numpy as np

VOCAB = 50001
D_MODEL = 128
B = 4
L = 2048


def _pos_encoding(seq_len, d_model):
    # standard sinusoidal positional encoding (torch tutorial PositionalEncoding)
    pos = jnp.arange(seq_len, dtype=jnp.float32)[:, None]
    div = jnp.exp(jnp.arange(0, d_model, 2, dtype=jnp.float32) * (-np.log(10000.0) / d_model))
    pe = jnp.zeros((seq_len, d_model), dtype=jnp.float32)
    pe = pe.at[:, 0::2].set(jnp.sin(pos * div))
    pe = pe.at[:, 1::2].set(jnp.cos(pos * div))
    return pe


def setup_inputs(seed: int = 0) -> dict:
    key = jax.random.key(seed)
    k1, k2, k3, k4 = jax.random.split(key, 4)
    x = jax.random.randint(k1, (B, L), 0, VOCAB, dtype=jnp.int32)
    # self.tgt buffer must be set before forward; materialize it as an input
    tgt = jax.random.randint(k2, (B, L), 0, VOCAB, dtype=jnp.int32)
    emb_src = jax.random.normal(k3, (VOCAB, D_MODEL), dtype=jnp.float32)
    emb_tgt = jax.random.normal(k4, (VOCAB, D_MODEL), dtype=jnp.float32)
    return {"x": x, "tgt": tgt, "emb_src": emb_src, "emb_tgt": emb_tgt}


def reference(x, tgt, emb_src, emb_tgt):
    # masks (side-effect state in the torch module)
    msk_pad_src = (x == 0)
    # src path: embedding lookup -> dropout (eval: identity) -> positional encoding
    xe = jnp.take(emb_src, x, axis=0)
    pe = _pos_encoding(xe.shape[1], xe.shape[2])
    xe = xe + pe[None, :, :]
    # tgt path (stored into self.tgt in the torch module, not returned)
    msk_pad_tgt = (tgt == 0)
    te = jnp.take(emb_tgt, tgt, axis=0)
    te = te + pe[None, :, :]
    # forward returns the src branch only
    return xe

if __name__ == "__main__":
    import jax
    _d = setup_inputs()
    print(jax.jit(kernel)(*tuple(_d.values())))

</pallas_src>

<mosaic_0001>
#map = affine_map<(d0, d1) -> (0, 0)>
module attributes {stable_mosaic.version = 14 : i64} {
  func.func @_sc_embed(%arg0: i32, %arg1: i32, %arg2: memref<4x2048xi32, #tpu.memory_space<hbm>>, %arg3: memref<2048x128xf32, #tpu.memory_space<hbm>>, %arg4: memref<50001x128xf32, #tpu.memory_space<hbm>>, %arg5: memref<8192x128xf32, #tpu.memory_space<hbm>>, %arg6: memref<4x64xi32, #tpu.memory_space<vmem>>, %arg7: memref<256x128xf32, #tpu.memory_space<vmem>>, %arg8: memref<64x128xf32, #tpu.memory_space<vmem>>, %arg9: memref<4x!tpu.dma_semaphore, #tpu.memory_space<semaphore_mem>>, %arg10: memref<!tpu.dma_semaphore, #tpu.memory_space<semaphore_mem>>, %arg11: memref<4x!tpu.dma_semaphore, #tpu.memory_space<semaphore_mem>>, %arg12: memref<4x!tpu.dma_semaphore, #tpu.memory_space<semaphore_mem>>) attributes {dimension_semantics = [#tpu.dimension_semantics<core_parallel>, #tpu.dimension_semantics<subcore_parallel>], iteration_bounds = array<i64: 2, 16>, scalar_prefetch = 0 : i64, scratch_operands = 7 : i64, tpu.core_type = #tpu.core_type<sc_vector_subcore>, window_params = [{transform_indices = #map}, {transform_indices = #map}, {transform_indices = #map}, {transform_indices = #map}]} {
    %mul3A = arith.constant 2 : i32
    %mul3A_0 = arith.muli %arg1, %mul3A : i32
    %add3A = arith.addi %mul3A_0, %arg0 : i32
    %mul3A_1 = arith.constant 64 : i32
    %mul3A_2 = arith.muli %add3A, %mul3A_1 : i32
    %dma_start3A = arith.constant 0 : i32
    %dma_start3A_3 = arith.constant 0 : i32
    %dma_start3A_4 = arith.constant 0 : i32
    %dma_start3A_5 = arith.constant 0 : i32
    %dma_start3A_6 = tpu.memref_slice %arg6[%dma_start3A_3, %dma_start3A_5] : memref<4x64xi32, #tpu.memory_space<vmem>> -> memref<1x64xi32, #tpu.memory_space<vmem>>
    %dma_start3A_7 = tpu.memref_squeeze %dma_start3A_6 : memref<1x64xi32, #tpu.memory_space<vmem>> -> memref<64xi32, #tpu.memory_space<vmem>>
    %dma_start3A_8 = tpu.memref_slice %arg2[%dma_start3A, %mul3A_2] : memref<4x2048xi32, #tpu.memory_space<hbm>> -> memref<1x64xi32, #tpu.memory_space<hbm>>
    %dma_start3A_9 = tpu.memref_squeeze %dma_start3A_8 : memref<1x64xi32, #tpu.memory_space<hbm>> -> memref<64xi32, #tpu.memory_space<hbm>>
    %dma_start3A_10 = tpu.memref_slice %arg9[%dma_start3A_4] : memref<4x!tpu.dma_semaphore, #tpu.memory_space<semaphore_mem>> -> memref<1x!tpu.dma_semaphore, #tpu.memory_space<semaphore_mem>>
    %dma_start3A_11 = tpu.memref_squeeze %dma_start3A_10 : memref<1x!tpu.dma_semaphore, #tpu.memory_space<semaphore_mem>> -> memref<!tpu.dma_semaphore, #tpu.memory_space<semaphore_mem>>
    %dma_start3A_12 = arith.constant 0 : i32
    %dma_start3A_13 = tpu.memref_slice %arg6[%dma_start3A_3, %dma_start3A_12] : memref<4x64xi32, #tpu.memory_space<vmem>> -> memref<1x64xi32, #tpu.memory_space<vmem>>
    %dma_start3A_14 = tpu.memref_squeeze %dma_start3A_13 : memref<1x64xi32, #tpu.memory_space<vmem>> -> memref<64xi32, #tpu.memory_space<vmem>>
    %dma_start3A_15 = tpu.memref_slice %arg2[%dma_start3A, %mul3A_2] : memref<4x2048xi32, #tpu.memory_space<hbm>> -> memref<1x64xi32, #tpu.memory_space<hbm>>
    %dma_start3A_16 = tpu.memref_squeeze %dma_start3A_15 : memref<1x64xi32, #tpu.memory_space<hbm>> -> memref<64xi32, #tpu.memory_space<hbm>>
    tpu.enqueue_dma source(%dma_start3A_16 : memref<64xi32, #tpu.memory_space<hbm>>) target(%dma_start3A_14 : memref<64xi32, #tpu.memory_space<vmem>>) target_semaphore(%dma_start3A_11 : memref<!tpu.dma_semaphore, #tpu.memory_space<semaphore_mem>>)
    %dma_start3A_17 = arith.constant 1 : i32
    %dma_start3A_18 = arith.constant 1 : i32
    %dma_start3A_19 = arith.constant 1 : i32
    %dma_start3A_20 = arith.constant 0 : i32
    %dma_start3A_21 = tpu.memref_slice %arg6[%dma_start3A_18, %dma_start3A_20] : memref<4x64xi32, #tpu.memory_space<vmem>> -> memref<1x64xi32, #tpu.memory_space<vmem>>
    %dma_start3A_22 = tpu.memref_squeeze %dma_start3A_21 : memref<1x64xi32, #tpu.memory_space<vmem>> -> memref<64xi32, #tpu.memory_space<vmem>>
    %dma_start3A_23 = tpu.memref_slice %arg2[%dma_start3A_17, %mul3A_2] : memref<4x2048xi32, #tpu.memory_space<hbm>> -> memref<1x64xi32, #tpu.memory_space<hbm>>
    %dma_start3A_24 = tpu.memref_squeeze %dma_start3A_23 : memref<1x64xi32, #tpu.memory_space<hbm>> -> memref<64xi32, #tpu.memory_space<hbm>>
    %dma_start3A_25 = tpu.memref_slice %arg9[%dma_start3A_19] : memref<4x!tpu.dma_semaphore, #tpu.memory_space<semaphore_mem>> -> memref<1x!tpu.dma_semaphore, #tpu.memory_space<semaphore_mem>>
    %dma_start3A_26 = tpu.memref_squeeze %dma_start3A_25 : memref<1x!tpu.dma_semaphore, #tpu.memory_space<semaphore_mem>> -> memref<!tpu.dma_semaphore, #tpu.memory_space<semaphore_mem>>
    %dma_start3A_27 = arith.constant 0 : i32
    %dma_start3A_28 = tpu.memref_slice %arg6[%dma_start3A_18, %dma_start3A_27] : memref<4x64xi32, #tpu.memory_space<vmem>> -> memref<1x64xi32, #tpu.memory_space<vmem>>
    %dma_start3A_29 = tpu.memref_squeeze %dma_start3A_28 : memref<1x64xi32, #tpu.memory_space<vmem>> -> memref<64xi32, #tpu.memory_space<vmem>>
    %dma_start3A_30 = tpu.memref_slice %arg2[%dma_start3A_17, %mul3A_2] : memref<4x2048xi32, #tpu.memory_space<hbm>> -> memref<1x64xi32, #tpu.memory_space<hbm>>
    %dma_start3A_31 = tpu.memref_squeeze %dma_start3A_30 : memref<1x64xi32, #tpu.memory_space<hbm>> -> memref<64xi32, #tpu.memory_space<hbm>>
    tpu.enqueue_dma source(%dma_start3A_31 : memref<64xi32, #tpu.memory_space<hbm>>) target(%dma_start3A_29 : memref<64xi32, #tpu.memory_space<vmem>>) target_semaphore(%dma_start3A_26 : memref<!tpu.dma_semaphore, #tpu.memory_space<semaphore_mem>>)
    %dma_start3A_32 = arith.constant 2 : i32
    %dma_start3A_33 = arith.constant 2 : i32
    %dma_start3A_34 = arith.constant 2 : i32
    %dma_start3A_35 = arith.constant 0 : i32
    %dma_start3A_36 = tpu.memref_slice %arg6[%dma_start3A_33, %dma_start3A_35] : memref<4x64xi32, #tpu.memory_space<vmem>> -> memref<1x64xi32, #tpu.memory_space<vmem>>
    %dma_start3A_37 = tpu.memref_squeeze %dma_start3A_36 : memref<1x64xi32, #tpu.memory_space<vmem>> -> memref<64xi32, #tpu.memory_space<vmem>>
    %dma_start3A_38 = tpu.memref_slice %arg2[%dma_start3A_32, %mul3A_2] : memref<4x2048xi32, #tpu.memory_space<hbm>> -> memref<1x64xi32, #tpu.memory_space<hbm>>
    %dma_start3A_39 = tpu.memref_squeeze %dma_start3A_38 : memref<1x64xi32, #tpu.memory_space<hbm>> -> memref<64xi32, #tpu.memory_space<hbm>>
    %dma_start3A_40 = tpu.memref_slice %arg9[%dma_start3A_34] : memref<4x!tpu.dma_semaphore, #tpu.memory_space<semaphore_mem>> -> memref<1x!tpu.dma_semaphore, #tpu.memory_space<semaphore_mem>>
    %dma_start3A_41 = tpu.memref_squeeze %dma_start3A_40 : memref<1x!tpu.dma_semaphore, #tpu.memory_space<semaphore_mem>> -> memref<!tpu.dma_semaphore, #tpu.memory_space<semaphore_mem>>
    %dma_start3A_42 = arith.constant 0 : i32
    %dma_start3A_43 = tpu.memref_slice %arg6[%dma_start3A_33, %dma_start3A_42] : memref<4x64xi32, #tpu.memory_space<vmem>> -> memref<1x64xi32, #tpu.memory_space<vmem>>
    %dma_start3A_44 = tpu.memref_squeeze %dma_start3A_43 : memref<1x64xi32, #tpu.memory_space<vmem>> -> memref<64xi32, #tpu.memory_space<vmem>>
    %dma_start3A_45 = tpu.memref_slice %arg2[%dma_start3A_32, %mul3A_2] : memref<4x2048xi32, #tpu.memory_space<hbm>> -> memref<1x64xi32, #tpu.memory_space<hbm>>
    %dma_start3A_46 = tpu.memref_squeeze %dma_start3A_45 : memref<1x64xi32, #tpu.memory_space<hbm>> -> memref<64xi32, #tpu.memory_space<hbm>>
    tpu.enqueue_dma source(%dma_start3A_46 : memref<64xi32, #tpu.memory_space<hbm>>) target(%dma_start3A_44 : memref<64xi32, #tpu.memory_space<vmem>>) target_semaphore(%dma_start3A_41 : memref<!tpu.dma_semaphore, #tpu.memory_space<semaphore_mem>>)
    %dma_start3A_47 = arith.constant 3 : i32
    %dma_start3A_48 = arith.constant 3 : i32
    %dma_start3A_49 = arith.constant 3 : i32
    %dma_start3A_50 = arith.constant 0 : i32
    %dma_start3A_51 = tpu.memref_slice %arg6[%dma_start3A_48, %dma_start3A_50] : memref<4x64xi32, #tpu.memory_space<vmem>> -> memref<1x64xi32, #tpu.memory_space<vmem>>
    %dma_start3A_52 = tpu.memref_squeeze %dma_start3A_51 : memref<1x64xi32, #tpu.memory_space<vmem>> -> memref<64xi32, #tpu.memory_space<vmem>>
    %dma_start3A_53 = tpu.memref_slice %arg2[%dma_start3A_47, %mul3A_2] : memref<4x2048xi32, #tpu.memory_space<hbm>> -> memref<1x64xi32, #tpu.memory_space<hbm>>
    %dma_start3A_54 = tpu.memref_squeeze %dma_start3A_53 : memref<1x64xi32, #tpu.memory_space<hbm>> -> memref<64xi32, #tpu.memory_space<hbm>>
    %dma_start3A_55 = tpu.memref_slice %arg9[%dma_start3A_49] : memref<4x!tpu.dma_semaphore, #tpu.memory_space<semaphore_mem>> -> memref<1x!tpu.dma_semaphore, #tpu.memory_space<semaphore_mem>>
    %dma_start3A_56 = tpu.memref_squeeze %dma_start3A_55 : memref<1x!tpu.dma_semaphore, #tpu.memory_space<semaphore_mem>> -> memref<!tpu.dma_semaphore, #tpu.memory_space<semaphore_mem>>
    %dma_start3A_57 = arith.constant 0 : i32
    %dma_start3A_58 = tpu.memref_slice %arg6[%dma_start3A_48, %dma_start3A_57] : memref<4x64xi32, #tpu.memory_space<vmem>> -> memref<1x64xi32, #tpu.memory_space<vmem>>
    %dma_start3A_59 = tpu.memref_squeeze %dma_start3A_58 : memref<1x64xi32, #tpu.memory_space<vmem>> -> memref<64xi32, #tpu.memory_space<vmem>>
    %dma_start3A_60 = tpu.memref_slice %arg2[%dma_start3A_47, %mul3A_2] : memref<4x2048xi32, #tpu.memory_space<hbm>> -> memref<1x64xi32, #tpu.memory_space<hbm>>
    %dma_start3A_61 = tpu.memref_squeeze %dma_start3A_60 : memref<1x64xi32, #tpu.memory_space<hbm>> -> memref<64xi32, #tpu.memory_space<hbm>>
    tpu.enqueue_dma source(%dma_start3A_61 : memref<64xi32, #tpu.memory_space<hbm>>) target(%dma_start3A_59 : memref<64xi32, #tpu.memory_space<vmem>>) target_semaphore(%dma_start3A_56 : memref<!tpu.dma_semaphore, #tpu.memory_space<semaphore_mem>>)
    %dma_start3A_62 = arith.constant 0 : i32
    %dma_start3A_63 = tpu.memref_slice %arg3[%mul3A_2, %dma_start3A_62] : memref<2048x128xf32, #tpu.memory_space<hbm>> -> memref<64x128xf32, #tpu.memory_space<hbm>>
    %dma_start3A_64 = arith.constant 0 : i32
    %dma_start3A_65 = tpu.memref_slice %arg3[%mul3A_2, %dma_start3A_64] : memref<2048x128xf32, #tpu.memory_space<hbm>> -> memref<64x128xf32, #tpu.memory_space<hbm>>
    tpu.enqueue_dma source(%dma_start3A_65 : memref<64x128xf32, #tpu.memory_space<hbm>>) target(%arg8 : memref<64x128xf32, #tpu.memory_space<vmem>>) target_semaphore(%arg10 : memref<!tpu.dma_semaphore, #tpu.memory_space<semaphore_mem>>)
    %dma_wait3A = arith.constant 0 : i32
    %dma_wait3A_66 = arith.constant 0 : i32
    %dma_wait3A_67 = arith.constant 0 : i32
    %dma_wait3A_68 = arith.constant 0 : i32
    %dma_wait3A_69 = tpu.memref_slice %arg6[%dma_wait3A_66, %dma_wait3A_68] : memref<4x64xi32, #tpu.memory_space<vmem>> -> memref<1x64xi32, #tpu.memory_space<vmem>>
    %dma_wait3A_70 = tpu.memref_squeeze %dma_wait3A_69 : memref<1x64xi32, #tpu.memory_space<vmem>> -> memref<64xi32, #tpu.memory_space<vmem>>
    %dma_wait3A_71 = tpu.memref_slice %arg2[%dma_wait3A, %mul3A_2] : memref<4x2048xi32, #tpu.memory_space<hbm>> -> memref<1x64xi32, #tpu.memory_space<hbm>>
    %dma_wait3A_72 = tpu.memref_squeeze %dma_wait3A_71 : memref<1x64xi32, #tpu.memory_space<hbm>> -> memref<64xi32, #tpu.memory_space<hbm>>
    %dma_wait3A_73 = tpu.memref_slice %arg9[%dma_wait3A_67] : memref<4x!tpu.dma_semaphore, #tpu.memory_space<semaphore_mem>> -> memref<1x!tpu.dma_semaphore, #tpu.memory_space<semaphore_mem>>
    %dma_wait3A_74 = tpu.memref_squeeze %dma_wait3A_73 : memref<1x!tpu.dma_semaphore, #tpu.memory_space<semaphore_mem>> -> memref<!tpu.dma_semaphore, #tpu.memory_space<semaphore_mem>>
    %dma_wait3A_75 = arith.constant 0 : i32
    %dma_wait3A_76 = tpu.memref_slice %arg6[%dma_wait3A_66, %dma_wait3A_75] : memref<4x64xi32, #tpu.memory_space<vmem>> -> memref<1x64xi32, #tpu.memory_space<vmem>>
    %dma_wait3A_77 = tpu.memref_squeeze %dma_wait3A_76 : memref<1x64xi32, #tpu.memory_space<vmem>> -> memref<64xi32, #tpu.memory_space<vmem>>
    %dma_wait3A_78 = tpu.memref_slice %arg2[%dma_wait3A, %mul3A_2] : memref<4x2048xi32, #tpu.memory_space<hbm>> -> memref<1x64xi32, #tpu.memory_space<hbm>>
    %dma_wait3A_79 = tpu.memref_squeeze %dma_wait3A_78 : memref<1x64xi32, #tpu.memory_space<hbm>> -> memref<64xi32, #tpu.memory_space<hbm>>
    tpu.wait_dma2 semaphore(%dma_wait3A_74 : memref<!tpu.dma_semaphore, #tpu.memory_space<semaphore_mem>>) src(%dma_wait3A_79 : memref<64xi32, #tpu.memory_space<hbm>>) dst(%dma_wait3A_77 : memref<64xi32, #tpu.memory_space<vmem>>)
    %dma_start3A_80 = arith.constant 0 : i32
    %dma_start3A_81 = arith.constant 0 : i32
    %dma_start3A_82 = arith.constant 0 : i32
    %dma_start3A_83 = arith.constant 0 : i32
    %dma_start3A_84 = tpu.memref_slice %arg7[%dma_start3A_82, %dma_start3A_83] : memref<256x128xf32, #tpu.memory_space<vmem>> -> memref<64x128xf32, #tpu.memory_space<vmem>>
    %dma_start3A_85 = arith.constant 0 : i32
    %dma_start3A_86 = tpu.memref_slice %arg6[%dma_start3A_80, %dma_start3A_85] : memref<4x64xi32, #tpu.memory_space<vmem>> -> memref<1x64xi32, #tpu.memory_space<vmem>>
    %dma_start3A_87 = tpu.memref_squeeze %dma_start3A_86 : memref<1x64xi32, #tpu.memory_space<vmem>> -> memref<64xi32, #tpu.memory_space<vmem>>
    %dma_start3A_88 = arith.constant 0 : i32
    %dma_start3A_89 = arith.constant 0 : i32
    %dma_start3A_90 = tpu.memref_slice %arg4[%dma_start3A_88, %dma_start3A_89] : memref<50001x128xf32, #tpu.memory_space<hbm>> -> memref<50001x128xf32, #tpu.memory_space<hbm>>
    %dma_start3A_91 = tpu.memref_slice %arg11[%dma_start3A_81] : memref<4x!tpu.dma_semaphore, #tpu.memory_space<semaphore_mem>> -> memref<1x!tpu.dma_semaphore, #tpu.memory_space<semaphore_mem>>
    %dma_start3A_92 = tpu.memref_squeeze %dma_start3A_91 : memref<1x!tpu.dma_semaphore, #tpu.memory_space<semaphore_mem>> -> memref<!tpu.dma_semaphore, #tpu.memory_space<semaphore_mem>>
    tpu.enqueue_indirect_dma source(%dma_start3A_90 : memref<50001x128xf32, #tpu.memory_space<hbm>>) target(%dma_start3A_84 : memref<64x128xf32, #tpu.memory_space<vmem>>) offsets(%dma_start3A_87 : memref<64xi32, #tpu.memory_space<vmem>>) semaphore(%dma_start3A_92 : memref<!tpu.dma_semaphore, #tpu.memory_space<semaphore_mem>>)
    %dma_wait3A_93 = arith.constant 1 : i32
    %dma_wait3A_94 = arith.constant 1 : i32
    %dma_wait3A_95 = arith.constant 1 : i32
    %dma_wait3A_96 = arith.constant 0 : i32
    %dma_wait3A_97 = tpu.memref_slice %arg6[%dma_wait3A_94, %dma_wait3A_96] : memref<4x64xi32, #tpu.memory_space<vmem>> -> memref<1x64xi32, #tpu.memory_space<vmem>>
    %dma_wait3A_98 = tpu.memref_squeeze %dma_wait3A_97 : memref<1x64xi32, #tpu.memory_space<vmem>> -> memref<64xi32, #tpu.memory_space<vmem>>
    %dma_wait3A_99 = tpu.memref_slice %arg2[%dma_wait3A_93, %mul3A_2] : memref<4x2048xi32, #tpu.memory_space<hbm>> -> memref<1x64xi32, #tpu.memory_space<hbm>>
    %dma_wait3A_100 = tpu.memref_squeeze %dma_wait3A_99 : memref<1x64xi32, #tpu.memory_space<hbm>> -> memref<64xi32, #tpu.memory_space<hbm>>
    %dma_wait3A_101 = tpu.memref_slice %arg9[%dma_wait3A_95] : memref<4x!tpu.dma_semaphore, #tpu.memory_space<semaphore_mem>> -> memref<1x!tpu.dma_semaphore, #tpu.memory_space<semaphore_mem>>
    %dma_wait3A_102 = tpu.memref_squeeze %dma_wait3A_101 : memref<1x!tpu.dma_semaphore, #tpu.memory_space<semaphore_mem>> -> memref<!tpu.dma_semaphore, #tpu.memory_space<semaphore_mem>>
    %dma_wait3A_103 = arith.constant 0 : i32
    %dma_wait3A_104 = tpu.memref_slice %arg6[%dma_wait3A_94, %dma_wait3A_103] : memref<4x64xi32, #tpu.memory_space<vmem>> -> memref<1x64xi32, #tpu.memory_space<vmem>>
    %dma_wait3A_105 = tpu.memref_squeeze %dma_wait3A_104 : memref<1x64xi32, #tpu.memory_space<vmem>> -> memref<64xi32, #tpu.memory_space<vmem>>
    %dma_wait3A_106 = tpu.memref_slice %arg2[%dma_wait3A_93, %mul3A_2] : memref<4x2048xi32, #tpu.memory_space<hbm>> -> memref<1x64xi32, #tpu.memory_space<hbm>>
    %dma_wait3A_107 = tpu.memref_squeeze %dma_wait3A_106 : memref<1x64xi32, #tpu.memory_space<hbm>> -> memref<64xi32, #tpu.memory_space<hbm>>
    tpu.wait_dma2 semaphore(%dma_wait3A_102 : memref<!tpu.dma_semaphore, #tpu.memory_space<semaphore_mem>>) src(%dma_wait3A_107 : memref<64xi32, #tpu.memory_space<hbm>>) dst(%dma_wait3A_105 : memref<64xi32, #tpu.memory_space<vmem>>)
    %dma_start3A_108 = arith.constant 1 : i32
    %dma_start3A_109 = arith.constant 1 : i32
    %dma_start3A_110 = arith.constant 64 : i32
    %dma_start3A_111 = arith.constant 0 : i32
    %dma_start3A_112 = tpu.memref_slice %arg7[%dma_start3A_110, %dma_start3A_111] : memref<256x128xf32, #tpu.memory_space<vmem>> -> memref<64x128xf32, #tpu.memory_space<vmem>>
    %dma_start3A_113 = arith.constant 0 : i32
    %dma_start3A_114 = tpu.memref_slice %arg6[%dma_start3A_108, %dma_start3A_113] : memref<4x64xi32, #tpu.memory_space<vmem>> -> memref<1x64xi32, #tpu.memory_space<vmem>>
    %dma_start3A_115 = tpu.memref_squeeze %dma_start3A_114 : memref<1x64xi32, #tpu.memory_space<vmem>> -> memref<64xi32, #tpu.memory_space<vmem>>
    %dma_start3A_116 = arith.constant 0 : i32
    %dma_start3A_117 = arith.constant 0 : i32
    %dma_start3A_118 = tpu.memref_slice %arg4[%dma_start3A_116, %dma_start3A_117] : memref<50001x128xf32, #tpu.memory_space<hbm>> -> memref<50001x128xf32, #tpu.memory_space<hbm>>
    %dma_start3A_119 = tpu.memref_slice %arg11[%dma_start3A_109] : memref<4x!tpu.dma_semaphore, #tpu.memory_space<semaphore_mem>> -> memref<1x!tpu.dma_semaphore, #tpu.memory_space<semaphore_mem>>
    %dma_start3A_120 = tpu.memref_squeeze %dma_start3A_119 : memref<1x!tpu.dma_semaphore, #tpu.memory_space<semaphore_mem>> -> memref<!tpu.dma_semaphore, #tpu.memory_space<semaphore_mem>>
    tpu.enqueue_indirect_dma source(%dma_start3A_118 : memref<50001x128xf32, #tpu.memory_space<hbm>>) target(%dma_start3A_112 : memref<64x128xf32, #tpu.memory_space<vmem>>) offsets(%dma_start3A_115 : memref<64xi32, #tpu.memory_space<vmem>>) semaphore(%dma_start3A_120 : memref<!tpu.dma_semaphore, #tpu.memory_space<semaphore_mem>>)
    %dma_wait3A_121 = arith.constant 2 : i32
    %dma_wait3A_122 = arith.constant 2 : i32
    %dma_wait3A_123 = arith.constant 2 : i32
    %dma_wait3A_124 = arith.constant 0 : i32
    %dma_wait3A_125 = tpu.memref_slice %arg6[%dma_wait3A_122, %dma_wait3A_124] : memref<4x64xi32, #tpu.memory_space<vmem>> -> memref<1x64xi32, #tpu.memory_space<vmem>>
    %dma_wait3A_126 = tpu.memref_squeeze %dma_wait3A_125 : memref<1x64xi32, #tpu.memory_space<vmem>> -> memref<64xi32, #tpu.memory_space<vmem>>
    %dma_wait3A_127 = tpu.memref_slice %arg2[%dma_wait3A_121, %mul3A_2] : memref<4x2048xi32, #tpu.memory_space<hbm>> -> memref<1x64xi32, #tpu.memory_space<hbm>>
    %dma_wait3A_128 = tpu.memref_squeeze %dma_wait3A_127 : memref<1x64xi32, #tpu.memory_space<hbm>> -> memref<64xi32, #tpu.memory_space<hbm>>
    %dma_wait3A_129 = tpu.memref_slice %arg9[%dma_wait3A_123] : memref<4x!tpu.dma_semaphore, #tpu.memory_space<semaphore_mem>> -> memref<1x!tpu.dma_semaphore, #tpu.memory_space<semaphore_mem>>
    %dma_wait3A_130 = tpu.memref_squeeze %dma_wait3A_129 : memref<1x!tpu.dma_semaphore, #tpu.memory_space<semaphore_mem>> -> memref<!tpu.dma_semaphore, #tpu.memory_space<semaphore_mem>>
    %dma_wait3A_131 = arith.constant 0 : i32
    %dma_wait3A_132 = tpu.memref_slice %arg6[%dma_wait3A_122, %dma_wait3A_131] : memref<4x64xi32, #tpu.memory_space<vmem>> -> memref<1x64xi32, #tpu.memory_space<vmem>>
    %dma_wait3A_133 = tpu.memref_squeeze %dma_wait3A_132 : memref<1x64xi32, #tpu.memory_space<vmem>> -> memref<64xi32, #tpu.memory_space<vmem>>
    %dma_wait3A_134 = tpu.memref_slice %arg2[%dma_wait3A_121, %mul3A_2] : memref<4x2048xi32, #tpu.memory_space<hbm>> -> memref<1x64xi32, #tpu.memory_space<hbm>>
    %dma_wait3A_135 = tpu.memref_squeeze %dma_wait3A_134 : memref<1x64xi32, #tpu.memory_space<hbm>> -> memref<64xi32, #tpu.memory_space<hbm>>
    tpu.wait_dma2 semaphore(%dma_wait3A_130 : memref<!tpu.dma_semaphore, #tpu.memory_space<semaphore_mem>>) src(%dma_wait3A_135 : memref<64xi32, #tpu.memory_space<hbm>>) dst(%dma_wait3A_133 : memref<64xi32, #tpu.memory_space<vmem>>)
    %dma_start3A_136 = arith.constant 2 : i32
    %dma_start3A_137 = arith.constant 2 : i32
    %dma_start3A_138 = arith.constant 128 : i32
    %dma_start3A_139 = arith.constant 0 : i32
    %dma_start3A_140 = tpu.memref_slice %arg7[%dma_start3A_138, %dma_start3A_139] : memref<256x128xf32, #tpu.memory_space<vmem>> -> memref<64x128xf32, #tpu.memory_space<vmem>>
    %dma_start3A_141 = arith.constant 0 : i32
    %dma_start3A_142 = tpu.memref_slice %arg6[%dma_start3A_136, %dma_start3A_141] : memref<4x64xi32, #tpu.memory_space<vmem>> -> memref<1x64xi32, #tpu.memory_space<vmem>>
    %dma_start3A_143 = tpu.memref_squeeze %dma_start3A_142 : memref<1x64xi32, #tpu.memory_space<vmem>> -> memref<64xi32, #tpu.memory_space<vmem>>
    %dma_start3A_144 = arith.constant 0 : i32
    %dma_start3A_145 = arith.constant 0 : i32
    %dma_start3A_146 = tpu.memref_slice %arg4[%dma_start3A_144, %dma_start3A_145] : memref<50001x128xf32, #tpu.memory_space<hbm>> -> memref<50001x128xf32, #tpu.memory_space<hbm>>
    %dma_start3A_147 = tpu.memref_slice %arg11[%dma_start3A_137] : memref<4x!tpu.dma_semaphore, #tpu.memory_space<semaphore_mem>> -> memref<1x!tpu.dma_semaphore, #tpu.memory_space<semaphore_mem>>
    %dma_start3A_148 = tpu.memref_squeeze %dma_start3A_147 : memref<1x!tpu.dma_semaphore, #tpu.memory_space<semaphore_mem>> -> memref<!tpu.dma_semaphore, #tpu.memory_space<semaphore_mem>>
    tpu.enqueue_indirect_dma source(%dma_start3A_146 : memref<50001x128xf32, #tpu.memory_space<hbm>>) target(%dma_start3A_140 : memref<64x128xf32, #tpu.memory_space<vmem>>) offsets(%dma_start3A_143 : memref<64xi32, #tpu.memory_space<vmem>>) semaphore(%dma_start3A_148 : memref<!tpu.dma_semaphore, #tpu.memory_space<semaphore_mem>>)
    %dma_wait3A_149 = arith.constant 3 : i32
    %dma_wait3A_150 = arith.constant 3 : i32
    %dma_wait3A_151 = arith.constant 3 : i32
    %dma_wait3A_152 = arith.constant 0 : i32
    %dma_wait3A_153 = tpu.memref_slice %arg6[%dma_wait3A_150, %dma_wait3A_152] : memref<4x64xi32, #tpu.memory_space<vmem>> -> memref<1x64xi32, #tpu.memory_space<vmem>>
    %dma_wait3A_154 = tpu.memref_squeeze %dma_wait3A_153 : memref<1x64xi32, #tpu.memory_space<vmem>> -> memref<64xi32, #tpu.memory_space<vmem>>
    %dma_wait3A_155 = tpu.memref_slice %arg2[%dma_wait3A_149, %mul3A_2] : memref<4x2048xi32, #tpu.memory_space<hbm>> -> memref<1x64xi32, #tpu.memory_space<hbm>>
    %dma_wait3A_156 = tpu.memref_squeeze %dma_wait3A_155 : memref<1x64xi32, #tpu.memory_space<hbm>> -> memref<64xi32, #tpu.memory_space<hbm>>
    %dma_wait3A_157 = tpu.memref_slice %arg9[%dma_wait3A_151] : memref<4x!tpu.dma_semaphore, #tpu.memory_space<semaphore_mem>> -> memref<1x!tpu.dma_semaphore, #tpu.memory_space<semaphore_mem>>
    %dma_wait3A_158 = tpu.memref_squeeze %dma_wait3A_157 : memref<1x!tpu.dma_semaphore, #tpu.memory_space<semaphore_mem>> -> memref<!tpu.dma_semaphore, #tpu.memory_space<semaphore_mem>>
    %dma_wait3A_159 = arith.constant 0 : i32
    %dma_wait3A_160 = tpu.memref_slice %arg6[%dma_wait3A_150, %dma_wait3A_159] : memref<4x64xi32, #tpu.memory_space<vmem>> -> memref<1x64xi32, #tpu.memory_space<vmem>>
    %dma_wait3A_161 = tpu.memref_squeeze %dma_wait3A_160 : memref<1x64xi32, #tpu.memory_space<vmem>> -> memref<64xi32, #tpu.memory_space<vmem>>
    %dma_wait3A_162 = tpu.memref_slice %arg2[%dma_wait3A_149, %mul3A_2] : memref<4x2048xi32, #tpu.memory_space<hbm>> -> memref<1x64xi32, #tpu.memory_space<hbm>>
    %dma_wait3A_163 = tpu.memref_squeeze %dma_wait3A_162 : memref<1x64xi32, #tpu.memory_space<hbm>> -> memref<64xi32, #tpu.memory_space<hbm>>
    tpu.wait_dma2 semaphore(%dma_wait3A_158 : memref<!tpu.dma_semaphore, #tpu.memory_space<semaphore_mem>>) src(%dma_wait3A_163 : memref<64xi32, #tpu.memory_space<hbm>>) dst(%dma_wait3A_161 : memref<64xi32, #tpu.memory_space<vmem>>)
    %dma_start3A_164 = arith.constant 3 : i32
    %dma_start3A_165 = arith.constant 3 : i32
    %dma_start3A_166 = arith.constant 192 : i32
    %dma_start3A_167 = arith.constant 0 : i32
    %dma_start3A_168 = tpu.memref_slice %arg7[%dma_start3A_166, %dma_start3A_167] : memref<256x128xf32, #tpu.memory_space<vmem>> -> memref<64x128xf32, #tpu.memory_space<vmem>>
    %dma_start3A_169 = arith.constant 0 : i32
    %dma_start3A_170 = tpu.memref_slice %arg6[%dma_start3A_164, %dma_start3A_169] : memref<4x64xi32, #tpu.memory_space<vmem>> -> memref<1x64xi32, #tpu.memory_space<vmem>>
    %dma_start3A_171 = tpu.memref_squeeze %dma_start3A_170 : memref<1x64xi32, #tpu.memory_space<vmem>> -> memref<64xi32, #tpu.memory_space<vmem>>
    %dma_start3A_172 = arith.constant 0 : i32
    %dma_start3A_173 = arith.constant 0 : i32
    %dma_start3A_174 = tpu.memref_slice %arg4[%dma_start3A_172, %dma_start3A_173] : memref<50001x128xf32, #tpu.memory_space<hbm>> -> memref<50001x128xf32, #tpu.memory_space<hbm>>
    %dma_start3A_175 = tpu.memref_slice %arg11[%dma_start3A_165] : memref<4x!tpu.dma_semaphore, #tpu.memory_space<semaphore_mem>> -> memref<1x!tpu.dma_semaphore, #tpu.memory_space<semaphore_mem>>
    %dma_start3A_176 = tpu.memref_squeeze %dma_start3A_175 : memref<1x!tpu.dma_semaphore, #tpu.memory_space<semaphore_mem>> -> memref<!tpu.dma_semaphore, #tpu.memory_space<semaphore_mem>>
    tpu.enqueue_indirect_dma source(%dma_start3A_174 : memref<50001x128xf32, #tpu.memory_space<hbm>>) target(%dma_start3A_168 : memref<64x128xf32, #tpu.memory_space<vmem>>) offsets(%dma_start3A_171 : memref<64xi32, #tpu.memory_space<vmem>>) semaphore(%dma_start3A_176 : memref<!tpu.dma_semaphore, #tpu.memory_space<semaphore_mem>>)
    %dma_wait3A_177 = arith.constant 0 : i32
    %dma_wait3A_178 = tpu.memref_slice %arg3[%mul3A_2, %dma_wait3A_177] : memref<2048x128xf32, #tpu.memory_space<hbm>> -> memref<64x128xf32, #tpu.memory_space<hbm>>
    %dma_wait3A_179 = arith.constant 0 : i32
    %dma_wait3A_180 = tpu.memref_slice %arg3[%mul3A_2, %dma_wait3A_179] : memref<2048x128xf32, #tpu.memory_space<hbm>> -> memref<64x128xf32, #tpu.memory_space<hbm>>
    tpu.wait_dma2 semaphore(%arg10 : memref<!tpu.dma_semaphore, #tpu.memory_space<semaphore_mem>>) src(%dma_wait3A_180 : memref<64x128xf32, #tpu.memory_space<hbm>>) dst(%arg8 : memref<64x128xf32, #tpu.memory_space<vmem>>)
    %dma_wait3A_181 = arith.constant 0 : i32
    %dma_wait3A_182 = arith.constant 0 : i32
    %dma_wait3A_183 = arith.constant 0 : i32
    %dma_wait3A_184 = arith.constant 0 : i32
    %dma_wait3A_185 = tpu.memref_slice %arg7[%dma_wait3A_183, %dma_wait3A_184] : memref<256x128xf32, #tpu.memory_space<vmem>> -> memref<64x128xf32, #tpu.memory_space<vmem>>
    %dma_wait3A_186 = arith.constant 0 : i32
    %dma_wait3A_187 = tpu.memref_slice %arg6[%dma_wait3A_181, %dma_wait3A_186] : memref<4x64xi32, #tpu.memory_space<vmem>> -> memref<1x64xi32, #tpu.memory_space<vmem>>
    %dma_wait3A_188 = tpu.memref_squeeze %dma_wait3A_187 : memref<1x64xi32, #tpu.memory_space<vmem>> -> memref<64xi32, #tpu.memory_space<vmem>>
    %dma_wait3A_189 = arith.constant 0 : i32
    %dma_wait3A_190 = arith.constant 0 : i32
    %dma_wait3A_191 = tpu.memref_slice %arg4[%dma_wait3A_189, %dma_wait3A_190] : memref<50001x128xf32, #tpu.memory_space<hbm>> -> memref<50001x128xf32, #tpu.memory_space<hbm>>
    %dma_wait3A_192 = tpu.memref_slice %arg11[%dma_wait3A_182] : memref<4x!tpu.dma_semaphore, #tpu.memory_space<semaphore_mem>> -> memref<1x!tpu.dma_semaphore, #tpu.memory_space<semaphore_mem>>
    %dma_wait3A_193 = tpu.memref_squeeze %dma_wait3A_192 : memref<1x!tpu.dma_semaphore, #tpu.memory_space<semaphore_mem>> -> memref<!tpu.dma_semaphore, #tpu.memory_space<semaphore_mem>>
    tpu.wait_indirect_dma semaphore(%dma_wait3A_193 : memref<!tpu.dma_semaphore, #tpu.memory_space<semaphore_mem>>) src(%dma_wait3A_191 : memref<50001x128xf32, #tpu.memory_space<hbm>>) dst(%dma_wait3A_185 : memref<64x128xf32, #tpu.memory_space<vmem>>)
    %dma_wait3A_194 = arith.constant 1 : i32
    %dma_wait3A_195 = arith.constant 1 : i32
    %dma_wait3A_196 = arith.constant 64 : i32
    %dma_wait3A_197 = arith.constant 0 : i32
    %dma_wait3A_198 = tpu.memref_slice %arg7[%dma_wait3A_196, %dma_wait3A_197] : memref<256x128xf32, #tpu.memory_space<vmem>> -> memref<64x128xf32, #tpu.memory_space<vmem>>
    %dma_wait3A_199 = arith.constant 0 : i32
    %dma_wait3A_200 = tpu.memref_slice %arg6[%dma_wait3A_194, %dma_wait3A_199] : memref<4x64xi32, #tpu.memory_space<vmem>> -> memref<1x64xi32, #tpu.memory_space<vmem>>
    %dma_wait3A_201 = tpu.memref_squeeze %dma_wait3A_200 : memref<1x64xi32, #tpu.memory_space<vmem>> -> memref<64xi32, #tpu.memory_space<vmem>>
    %dma_wait3A_202 = arith.constant 0 : i32
    %dma_wait3A_203 = arith.constant 0 : i32
    %dma_wait3A_204 = tpu.memref_slice %arg4[%dma_wait3A_202, %dma_wait3A_203] : memref<50001x128xf32, #tpu.memory_space<hbm>> -> memref<50001x128xf32, #tpu.memory_space<hbm>>
    %dma_wait3A_205 = tpu.memref_slice %arg11[%dma_wait3A_195] : memref<4x!tpu.dma_semaphore, #tpu.memory_space<semaphore_mem>> -> memref<1x!tpu.dma_semaphore, #tpu.memory_space<semaphore_mem>>
    %dma_wait3A_206 = tpu.memref_squeeze %dma_wait3A_205 : memref<1x!tpu.dma_semaphore, #tpu.memory_space<semaphore_mem>> -> memref<!tpu.dma_semaphore, #tpu.memory_space<semaphore_mem>>
    tpu.wait_indirect_dma semaphore(%dma_wait3A_206 : memref<!tpu.dma_semaphore, #tpu.memory_space<semaphore_mem>>) src(%dma_wait3A_204 : memref<50001x128xf32, #tpu.memory_space<hbm>>) dst(%dma_wait3A_198 : memref<64x128xf32, #tpu.memory_space<vmem>>)
    %scan3A = arith.constant 0 : i32
    %scan3A_207 = arith.constant 0 : i32
    %scan3A_208 = arith.constant 64 : i32
    %scan3A_209 = arith.addi %scan3A_207, %scan3A_208 : i32
    %scan3A_210 = arith.constant 1 : i32
    scf.for %scan3A_356 = %scan3A_207 to %scan3A_209 step %scan3A_210  : i32 {
      %get3A = arith.index_cast %scan3A_356 : i32 to index
      %get3A_357 = arith.constant 0 : index
      %get3A_358 = tpu.vector_load %arg8[%get3A, %get3A_357] {strides = array<i32>} : memref<64x128xf32, #tpu.memory_space<vmem>>, vector<1x16xf32>,
      %get3A_359 = vector.shape_cast %get3A_358 : vector<1x16xf32> to vector<16xf32>
      %add3A_360 = arith.constant 0 : i32
      %add3A_361 = arith.addi %add3A_360, %scan3A_356 : i32
      %get3A_362 = arith.index_cast %add3A_361 : i32 to index
      %get3A_363 = arith.constant 0 : index
      %get3A_364 = tpu.vector_load %arg7[%get3A_362, %get3A_363] {strides = array<i32>} : memref<256x128xf32, #tpu.memory_space<vmem>>, vector<1x16xf32>,
      %get3A_365 = vector.shape_cast %get3A_364 : vector<1x16xf32> to vector<16xf32>
      %add3A_366 = arith.addf %get3A_365, %get3A_359 : vector<16xf32>
      %add3A_367 = arith.constant 0 : i32
      %add3A_368 = arith.addi %add3A_367, %scan3A_356 : i32
      %swap3A = arith.index_cast %add3A_368 : i32 to index
      %swap3A_369 = arith.constant 0 : index
      %swap3A_370 = tpu.vector_load %arg7[%swap3A, %swap3A_369] {strides = array<i32>} : memref<256x128xf32, #tpu.memory_space<vmem>>, vector<1x16xf32>,
      %swap3A_371 = vector.shape_cast %swap3A_370 : vector<1x16xf32> to vector<16xf32>
      %swap3A_372 = vector.shape_cast %add3A_366 : vector<16xf32> to vector<1x16xf32>
      tpu.vector_store %arg7[%swap3A, %swap3A_369], %swap3A_372 {strides = array<i32>} : memref<256x128xf32, #tpu.memory_space<vmem>>, vector<1x16xf32>,
      %add3A_373 = arith.constant 64 : i32
      %add3A_374 = arith.addi %add3A_373, %scan3A_356 : i32
      %get3A_375 = arith.index_cast %add3A_374 : i32 to index
      %get3A_376 = arith.constant 0 : index
      %get3A_377 = tpu.vector_load %arg7[%get3A_375, %get3A_376] {strides = array<i32>} : memref<256x128xf32, #tpu.memory_space<vmem>>, vector<1x16xf32>,
      %get3A_378 = vector.shape_cast %get3A_377 : vector<1x16xf32> to vector<16xf32>
      %add3A_379 = arith.addf %get3A_378, %get3A_359 : vector<16xf32>
      %add3A_380 = arith.constant 64 : i32
      %add3A_381 = arith.addi %add3A_380, %scan3A_356 : i32
      %swap3A_382 = arith.index_cast %add3A_381 : i32 to index
      %swap3A_383 = arith.constant 0 : index
      %swap3A_384 = tpu.vector_load %arg7[%swap3A_382, %swap3A_383] {strides = array<i32>} : memref<256x128xf32, #tpu.memory_space<vmem>>, vector<1x16xf32>,
      %swap3A_385 = vector.shape_cast %swap3A_384 : vector<1x16xf32> to vector<16xf32>
      %swap3A_386 = vector.shape_cast %add3A_379 : vector<16xf32> to vector<1x16xf32>
      tpu.vector_store %arg7[%swap3A_382, %swap3A_383], %swap3A_386 {strides = array<i32>} : memref<256x128xf32, #tpu.memory_space<vmem>>, vector<1x16xf32>,
      %get3A_387 = arith.index_cast %scan3A_356 : i32 to index
      %get3A_388 = arith.constant 16 : index
      %get3A_389 = tpu.vector_load %arg8[%get3A_387, %get3A_388] {strides = array<i32>} : memref<64x128xf32, #tpu.memory_space<vmem>>, vector<1x16xf32>,
      %get3A_390 = vector.shape_cast %get3A_389 : vector<1x16xf32> to vector<16xf32>
      %add3A_391 = arith.constant 0 : i32
      %add3A_392 = arith.addi %add3A_391, %scan3A_356 : i32
      %get3A_393 = arith.index_cast %add3A_392 : i32 to index
      %get3A_394 = arith.constant 16 : index
      %get3A_395 = tpu.vector_load %arg7[%get3A_393, %get3A_394] {strides = array<i32>} : memref<256x128xf32, #tpu.memory_space<vmem>>, vector<1x16xf32>,
      %get3A_396 = vector.shape_cast %get3A_395 : vector<1x16xf32> to vector<16xf32>
      %add3A_397 = arith.addf %get3A_396, %get3A_390 : vector<16xf32>
      %add3A_398 = arith.constant 0 : i32
      %add3A_399 = arith.addi %add3A_398, %scan3A_356 : i32
      %swap3A_400 = arith.index_cast %add3A_399 : i32 to index
      %swap3A_401 = arith.constant 16 : index
      %swap3A_402 = tpu.vector_load %arg7[%swap3A_400, %swap3A_401] {strides = array<i32>} : memref<256x128xf32, #tpu.memory_space<vmem>>, vector<1x16xf32>,
      %swap3A_403 = vector.shape_cast %swap3A_402 : vector<1x16xf32> to vector<16xf32>
      %swap3A_404 = vector.shape_cast %add3A_397 : vector<16xf32> to vector<1x16xf32>
      tpu.vector_store %arg7[%swap3A_400, %swap3A_401], %swap3A_404 {strides = array<i32>} : memref<256x128xf32, #tpu.memory_space<vmem>>, vector<1x16xf32>,
      %add3A_405 = arith.constant 64 : i32
      %add3A_406 = arith.addi %add3A_405, %scan3A_356 : i32
      %get3A_407 = arith.index_cast %add3A_406 : i32 to index
      %get3A_408 = arith.constant 16 : index
      %get3A_409 = tpu.vector_load %arg7[%get3A_407, %get3A_408] {strides = array<i32>} : memref<256x128xf32, #tpu.memory_space<vmem>>, vector<1x16xf32>,
      %get3A_410 = vector.shape_cast %get3A_409 : vector<1x16xf32> to vector<16xf32>
      %add3A_411 = arith.addf %get3A_410, %get3A_390 : vector<16xf32>
      %add3A_412 = arith.constant 64 : i32
      %add3A_413 = arith.addi %add3A_412, %scan3A_356 : i32
      %swap3A_414 = arith.index_cast %add3A_413 : i32 to index
      %swap3A_415 = arith.constant 16 : index
      %swap3A_416 = tpu.vector_load %arg7[%swap3A_414, %swap3A_415] {strides = array<i32>} : memref<256x128xf32, #tpu.memory_space<vmem>>, vector<1x16xf32>,
      %swap3A_417 = vector.shape_cast %swap3A_416 : vector<1x16xf32> to vector<16xf32>
      %swap3A_418 = vector.shape_cast %add3A_411 : vector<16xf32> to vector<1x16xf32>
      tpu.vector_store %arg7[%swap3A_414, %swap3A_415], %swap3A_418 {strides = array<i32>} : memref<256x128xf32, #tpu.memory_space<vmem>>, vector<1x16xf32>,
      %get3A_419 = arith.index_cast %scan3A_356 : i32 to index
      %get3A_420 = arith.constant 32 : index
      %get3A_421 = tpu.vector_load %arg8[%get3A_419, %get3A_420] {strides = array<i32>} : memref<64x128xf32, #tpu.memory_space<vmem>>, vector<1x16xf32>,
      %get3A_422 = vector.shape_cast %get3A_421 : vector<1x16xf32> to vector<16xf32>
      %add3A_423 = arith.constant 0 : i32
      %add3A_424 = arith.addi %add3A_423, %scan3A_356 : i32
      %get3A_425 = arith.index_cast %add3A_424 : i32 to index
      %get3A_426 = arith.constant 32 : index
      %get3A_427 = tpu.vector_load %arg7[%get3A_425, %get3A_426] {strides = array<i32>} : memref<256x128xf32, #tpu.memory_space<vmem>>, vector<1x16xf32>,
      %get3A_428 = vector.shape_cast %get3A_427 : vector<1x16xf32> to vector<16xf32>
      %add3A_429 = arith.addf %get3A_428, %get3A_422 : vector<16xf32>
      %add3A_430 = arith.constant 0 : i32
      %add3A_431 = arith.addi %add3A_430, %scan3A_356 : i32
      %swap3A_432 = arith.index_cast %add3A_431 : i32 to index
      %swap3A_433 = arith.constant 32 : index
      %swap3A_434 = tpu.vector_load %arg7[%swap3A_432, %swap3A_433] {strides = array<i32>} : memref<256x128xf32, #tpu.memory_space<vmem>>, vector<1x16xf32>,
      %swap3A_435 = vector.shape_cast %swap3A_434 : vector<1x16xf32> to vector<16xf32>
      %swap3A_436 = vector.shape_cast %add3A_429 : vector<16xf32> to vector<1x16xf32>
      tpu.vector_store %arg7[%swap3A_432, %swap3A_433], %swap3A_436 {strides = array<i32>} : memref<256x128xf32, #tpu.memory_space<vmem>>, vector<1x16xf32>,
      %add3A_437 = arith.constant 64 : i32
      %add3A_438 = arith.addi %add3A_437, %scan3A_356 : i32
      %get3A_439 = arith.index_cast %add3A_438 : i32 to index
      %get3A_440 = arith.constant 32 : index
      %get3A_441 = tpu.vector_load %arg7[%get3A_439, %get3A_440] {strides = array<i32>} : memref<256x128xf32, #tpu.memory_space<vmem>>, vector<1x16xf32>,
      %get3A_442 = vector.shape_cast %get3A_441 : vector<1x16xf32> to vector<16xf32>
      %add3A_443 = arith.addf %get3A_442, %get3A_422 : vector<16xf32>
      %add3A_444 = arith.constant 64 : i32
      %add3A_445 = arith.addi %add3A_444, %scan3A_356 : i32
      %swap3A_446 = arith.index_cast %add3A_445 : i32 to index
      %swap3A_447 = arith.constant 32 : index
      %swap3A_448 = tpu.vector_load %arg7[%swap3A_446, %swap3A_447] {strides = array<i32>} : memref<256x128xf32, #tpu.memory_space<vmem>>, vector<1x16xf32>,
      %swap3A_449 = vector.shape_cast %swap3A_448 : vector<1x16xf32> to vector<16xf32>
      %swap3A_450 = vector.shape_cast %add3A_443 : vector<16xf32> to vector<1x16xf32>
      tpu.vector_store %arg7[%swap3A_446, %swap3A_447], %swap3A_450 {strides = array<i32>} : memref<256x128xf32, #tpu.memory_space<vmem>>, vector<1x16xf32>,
      %get3A_451 = arith.index_cast %scan3A_356 : i32 to index
      %get3A_452 = arith.constant 48 : index
      %get3A_453 = tpu.vector_load %arg8[%get3A_451, %get3A_452] {strides = array<i32>} : memref<64x128xf32, #tpu.memory_space<vmem>>, vector<1x16xf32>,
      %get3A_454 = vector.shape_cast %get3A_453 : vector<1x16xf32> to vector<16xf32>
      %add3A_455 = arith.constant 0 : i32
      %add3A_456 = arith.addi %add3A_455, %scan3A_356 : i32
      %get3A_457 = arith.index_cast %add3A_456 : i32 to index
      %get3A_458 = arith.constant 48 : index
      %get3A_459 = tpu.vector_load %arg7[%get3A_457, %get3A_458] {strides = array<i32>} : memref<256x128xf32, #tpu.memory_space<vmem>>, vector<1x16xf32>,
      %get3A_460 = vector.shape_cast %get3A_459 : vector<1x16xf32> to vector<16xf32>
      %add3A_461 = arith.addf %get3A_460, %get3A_454 : vector<16xf32>
      %add3A_462 = arith.constant 0 : i32
      %add3A_463 = arith.addi %add3A_462, %scan3A_356 : i32
      %swap3A_464 = arith.index_cast %add3A_463 : i32 to index
      %swap3A_465 = arith.constant 48 : index
      %swap3A_466 = tpu.vector_load %arg7[%swap3A_464, %swap3A_465] {strides = array<i32>} : memref<256x128xf32, #tpu.memory_space<vmem>>, vector<1x16xf32>,
      %swap3A_467 = vector.shape_cast %swap3A_466 : vector<1x16xf32> to vector<16xf32>
      %swap3A_468 = vector.shape_cast %add3A_461 : vector<16xf32> to vector<1x16xf32>
      tpu.vector_store %arg7[%swap3A_464, %swap3A_465], %swap3A_468 {strides = array<i32>} : memref<256x128xf32, #tpu.memory_space<vmem>>, vector<1x16xf32>,
      %add3A_469 = arith.constant 64 : i32
      %add3A_470 = arith.addi %add3A_469, %scan3A_356 : i32
      %get3A_471 = arith.index_cast %add3A_470 : i32 to index
      %get3A_472 = arith.constant 48 : index
      %get3A_473 = tpu.vector_load %arg7[%get3A_471, %get3A_472] {strides = array<i32>} : memref<256x128xf32, #tpu.memory_space<vmem>>, vector<1x16xf32>,
      %get3A_474 = vector.shape_cast %get3A_473 : vector<1x16xf32> to vector<16xf32>
      %add3A_475 = arith.addf %get3A_474, %get3A_454 : vector<16xf32>
      %add3A_476 = arith.constant 64 : i32
      %add3A_477 = arith.addi %add3A_476, %scan3A_356 : i32
      %swap3A_478 = arith.index_cast %add3A_477 : i32 to index
      %swap3A_479 = arith.constant 48 : index
      %swap3A_480 = tpu.vector_load %arg7[%swap3A_478, %swap3A_479] {strides = array<i32>} : memref<256x128xf32, #tpu.memory_space<vmem>>, vector<1x16xf32>,
      %swap3A_481 = vector.shape_cast %swap3A_480 : vector<1x16xf32> to vector<16xf32>
      %swap3A_482 = vector.shape_cast %add3A_475 : vector<16xf32> to vector<1x16xf32>
      tpu.vector_store %arg7[%swap3A_478, %swap3A_479], %swap3A_482 {strides = array<i32>} : memref<256x128xf32, #tpu.memory_space<vmem>>, vector<1x16xf32>,
      %get3A_483 = arith.index_cast %scan3A_356 : i32 to index
      %get3A_484 = arith.constant 64 : index
      %get3A_485 = tpu.vector_load %arg8[%get3A_483, %get3A_484] {strides = array<i32>} : memref<64x128xf32, #tpu.memory_space<vmem>>, vector<1x16xf32>,
      %get3A_486 = vector.shape_cast %get3A_485 : vector<1x16xf32> to vector<16xf32>
      %add3A_487 = arith.constant 0 : i32
      %add3A_488 = arith.addi %add3A_487, %scan3A_356 : i32
      %get3A_489 = arith.index_cast %add3A_488 : i32 to index
      %get3A_490 = arith.constant 64 : index
      %get3A_491 = tpu.vector_load %arg7[%get3A_489, %get3A_490] {strides = array<i32>} : memref<256x128xf32, #tpu.memory_space<vmem>>, vector<1x16xf32>,
      %get3A_492 = vector.shape_cast %get3A_491 : vector<1x16xf32> to vector<16xf32>
      %add3A_493 = arith.addf %get3A_492, %get3A_486 : vector<16xf32>
      %add3A_494 = arith.constant 0 : i32
      %add3A_495 = arith.addi %add3A_494, %scan3A_356 : i32
      %swap3A_496 = arith.index_cast %add3A_495 : i32 to index
      %swap3A_497 = arith.constant 64 : index
      %swap3A_498 = tpu.vector_load %arg7[%swap3A_496, %swap3A_497] {strides = array<i32>} : memref<256x128xf32, #tpu.memory_space<vmem>>, vector<1x16xf32>,
      %swap3A_499 = vector.shape_cast %swap3A_498 : vector<1x16xf32> to vector<16xf32>
      %swap3A_500 = vector.shape_cast %add3A_493 : vector<16xf32> to vector<1x16xf32>
      tpu.vector_store %arg7[%swap3A_496, %swap3A_497], %swap3A_500 {strides = array<i32>} : memref<256x128xf32, #tpu.memory_space<vmem>>, vector<1x16xf32>,
      %add3A_501 = arith.constant 64 : i32
      %add3A_502 = arith.addi %add3A_501, %scan3A_356 : i32
      %get3A_503 = arith.index_cast %add3A_502 : i32 to index
      %get3A_504 = arith.constant 64 : index
      %get3A_505 = tpu.vector_load %arg7[%get3A_503, %get3A_504] {strides = array<i32>} : memref<256x128xf32, #tpu.memory_space<vmem>>, vector<1x16xf32>,
      %get3A_506 = vector.shape_cast %get3A_505 : vector<1x16xf32> to vector<16xf32>
      %add3A_507 = arith.addf %get3A_506, %get3A_486 : vector<16xf32>
      %add3A_508 = arith.constant 64 : i32
      %add3A_509 = arith.addi %add3A_508, %scan3A_356 : i32
      %swap3A_510 = arith.index_cast %add3A_509 : i32 to index
      %swap3A_511 = arith.constant 64 : index
      %swap3A_512 = tpu.vector_load %arg7[%swap3A_510, %swap3A_511] {strides = array<i32>} : memref<256x128xf32, #tpu.memory_space<vmem>>, vector<1x16xf32>,
      %swap3A_513 = vector.shape_cast %swap3A_512 : vector<1x16xf32> to vector<16xf32>
      %swap3A_514 = vector.shape_cast %add3A_507 : vector<16xf32> to vector<1x16xf32>
      tpu.vector_store %arg7[%swap3A_510, %swap3A_511], %swap3A_514 {strides = array<i32>} : memref<256x128xf32, #tpu.memory_space<vmem>>, vector<1x16xf32>,
      %get3A_515 = arith.index_cast %scan3A_356 : i32 to index
      %get3A_516 = arith.constant 80 : index
      %get3A_517 = tpu.vector_load %arg8[%get3A_515, %get3A_516] {strides = array<i32>} : memref<64x128xf32, #tpu.memory_space<vmem>>, vector<1x16xf32>,
      %get3A_518 = vector.shape_cast %get3A_517 : vector<1x16xf32> to vector<16xf32>
      %add3A_519 = arith.constant 0 : i32
      %add3A_520 = arith.addi %add3A_519, %scan3A_356 : i32
      %get3A_521 = arith.index_cast %add3A_520 : i32 to index
      %get3A_522 = arith.constant 80 : index
      %get3A_523 = tpu.vector_load %arg7[%get3A_521, %get3A_522] {strides = array<i32>} : memref<256x128xf32, #tpu.memory_space<vmem>>, vector<1x16xf32>,
      %get3A_524 = vector.shape_cast %get3A_523 : vector<1x16xf32> to vector<16xf32>
      %add3A_525 = arith.addf %get3A_524, %get3A_518 : vector<16xf32>
      %add3A_526 = arith.constant 0 : i32
      %add3A_527 = arith.addi %add3A_526, %scan3A_356 : i32
      %swap3A_528 = arith.index_cast %add3A_527 : i32 to index
      %swap3A_529 = arith.constant 80 : index
      %swap3A_530 = tpu.vector_load %arg7[%swap3A_528, %swap3A_529] {strides = array<i32>} : memref<256x128xf32, #tpu.memory_space<vmem>>, vector<1x16xf32>,
      %swap3A_531 = vector.shape_cast %swap3A_530 : vector<1x16xf32> to vector<16xf32>
      %swap3A_532 = vector.shape_cast %add3A_525 : vector<16xf32> to vector<1x16xf32>
      tpu.vector_store %arg7[%swap3A_528, %swap3A_529], %swap3A_532 {strides = array<i32>} : memref<256x128xf32, #tpu.memory_space<vmem>>, vector<1x16xf32>,
      %add3A_533 = arith.constant 64 : i32
      %add3A_534 = arith.addi %add3A_533, %scan3A_356 : i32
      %get3A_535 = arith.index_cast %add3A_534 : i32 to index
      %get3A_536 = arith.constant 80 : index
      %get3A_537 = tpu.vector_load %arg7[%get3A_535, %get3A_536] {strides = array<i32>} : memref<256x128xf32, #tpu.memory_space<vmem>>, vector<1x16xf32>,
      %get3A_538 = vector.shape_cast %get3A_537 : vector<1x16xf32> to vector<16xf32>
      %add3A_539 = arith.addf %get3A_538, %get3A_518 : vector<16xf32>
      %add3A_540 = arith.constant 64 : i32
      %add3A_541 = arith.addi %add3A_540, %scan3A_356 : i32
      %swap3A_542 = arith.index_cast %add3A_541 : i32 to index
      %swap3A_543 = arith.constant 80 : index
      %swap3A_544 = tpu.vector_load %arg7[%swap3A_542, %swap3A_543] {strides = array<i32>} : memref<256x128xf32, #tpu.memory_space<vmem>>, vector<1x16xf32>,
      %swap3A_545 = vector.shape_cast %swap3A_544 : vector<1x16xf32> to vector<16xf32>
      %swap3A_546 = vector.shape_cast %add3A_539 : vector<16xf32> to vector<1x16xf32>
      tpu.vector_store %arg7[%swap3A_542, %swap3A_543], %swap3A_546 {strides = array<i32>} : memref<256x128xf32, #tpu.memory_space<vmem>>, vector<1x16xf32>,
      %get3A_547 = arith.index_cast %scan3A_356 : i32 to index
      %get3A_548 = arith.constant 96 : index
      %get3A_549 = tpu.vector_load %arg8[%get3A_547, %get3A_548] {strides = array<i32>} : memref<64x128xf32, #tpu.memory_space<vmem>>, vector<1x16xf32>,
      %get3A_550 = vector.shape_cast %get3A_549 : vector<1x16xf32> to vector<16xf32>
      %add3A_551 = arith.constant 0 : i32
      %add3A_552 = arith.addi %add3A_551, %scan3A_356 : i32
      %get3A_553 = arith.index_cast %add3A_552 : i32 to index
      %get3A_554 = arith.constant 96 : index
      %get3A_555 = tpu.vector_load %arg7[%get3A_553, %get3A_554] {strides = array<i32>} : memref<256x128xf32, #tpu.memory_space<vmem>>, vector<1x16xf32>,
      %get3A_556 = vector.shape_cast %get3A_555 : vector<1x16xf32> to vector<16xf32>
      %add3A_557 = arith.addf %get3A_556, %get3A_550 : vector<16xf32>
      %add3A_558 = arith.constant 0 : i32
      %add3A_559 = arith.addi %add3A_558, %scan3A_356 : i32
      %swap3A_560 = arith.index_cast %add3A_559 : i32 to index
      %swap3A_561 = arith.constant 96 : index
      %swap3A_562 = tpu.vector_load %arg7[%swap3A_560, %swap3A_561] {strides = array<i32>} : memref<256x128xf32, #tpu.memory_space<vmem>>, vector<1x16xf32>,
      %swap3A_563 = vector.shape_cast %swap3A_562 : vector<1x16xf32> to vector<16xf32>
      %swap3A_564 = vector.shape_cast %add3A_557 : vector<16xf32> to vector<1x16xf32>
      tpu.vector_store %arg7[%swap3A_560, %swap3A_561], %swap3A_564 {strides = array<i32>} : memref<256x128xf32, #tpu.memory_space<vmem>>, vector<1x16xf32>,
      %add3A_565 = arith.constant 64 : i32
      %add3A_566 = arith.addi %add3A_565, %scan3A_356 : i32
      %get3A_567 = arith.index_cast %add3A_566 : i32 to index
      %get3A_568 = arith.constant 96 : index
      %get3A_569 = tpu.vector_load %arg7[%get3A_567, %get3A_568] {strides = array<i32>} : memref<256x128xf32, #tpu.memory_space<vmem>>, vector<1x16xf32>,
      %get3A_570 = vector.shape_cast %get3A_569 : vector<1x16xf32> to vector<16xf32>
      %add3A_571 = arith.addf %get3A_570, %get3A_550 : vector<16xf32>
      %add3A_572 = arith.constant 64 : i32
      %add3A_573 = arith.addi %add3A_572, %scan3A_356 : i32
      %swap3A_574 = arith.index_cast %add3A_573 : i32 to index
      %swap3A_575 = arith.constant 96 : index
      %swap3A_576 = tpu.vector_load %arg7[%swap3A_574, %swap3A_575] {strides = array<i32>} : memref<256x128xf32, #tpu.memory_space<vmem>>, vector<1x16xf32>,
      %swap3A_577 = vector.shape_cast %swap3A_576 : vector<1x16xf32> to vector<16xf32>
      %swap3A_578 = vector.shape_cast %add3A_571 : vector<16xf32> to vector<1x16xf32>
      tpu.vector_store %arg7[%swap3A_574, %swap3A_575], %swap3A_578 {strides = array<i32>} : memref<256x128xf32, #tpu.memory_space<vmem>>, vector<1x16xf32>,
      %get3A_579 = arith.index_cast %scan3A_356 : i32 to index
      %get3A_580 = arith.constant 112 : index
      %get3A_581 = tpu.vector_load %arg8[%get3A_579, %get3A_580] {strides = array<i32>} : memref<64x128xf32, #tpu.memory_space<vmem>>, vector<1x16xf32>,
      %get3A_582 = vector.shape_cast %get3A_581 : vector<1x16xf32> to vector<16xf32>
      %add3A_583 = arith.constant 0 : i32
      %add3A_584 = arith.addi %add3A_583, %scan3A_356 : i32
      %get3A_585 = arith.index_cast %add3A_584 : i32 to index
      %get3A_586 = arith.constant 112 : index
      %get3A_587 = tpu.vector_load %arg7[%get3A_585, %get3A_586] {strides = array<i32>} : memref<256x128xf32, #tpu.memory_space<vmem>>, vector<1x16xf32>,
      %get3A_588 = vector.shape_cast %get3A_587 : vector<1x16xf32> to vector<16xf32>
      %add3A_589 = arith.addf %get3A_588, %get3A_582 : vector<16xf32>
      %add3A_590 = arith.constant 0 : i32
      %add3A_591 = arith.addi %add3A_590, %scan3A_356 : i32
      %swap3A_592 = arith.index_cast %add3A_591 : i32 to index
      %swap3A_593 = arith.constant 112 : index
      %swap3A_594 = tpu.vector_load %arg7[%swap3A_592, %swap3A_593] {strides = array<i32>} : memref<256x128xf32, #tpu.memory_space<vmem>>, vector<1x16xf32>,
      %swap3A_595 = vector.shape_cast %swap3A_594 : vector<1x16xf32> to vector<16xf32>
      %swap3A_596 = vector.shape_cast %add3A_589 : vector<16xf32> to vector<1x16xf32>
      tpu.vector_store %arg7[%swap3A_592, %swap3A_593], %swap3A_596 {strides = array<i32>} : memref<256x128xf32, #tpu.memory_space<vmem>>, vector<1x16xf32>,
      %add3A_597 = arith.constant 64 : i32
      %add3A_598 = arith.addi %add3A_597, %scan3A_356 : i32
      %get3A_599 = arith.index_cast %add3A_598 : i32 to index
      %get3A_600 = arith.constant 112 : index
      %get3A_601 = tpu.vector_load %arg7[%get3A_599, %get3A_600] {strides = array<i32>} : memref<256x128xf32, #tpu.memory_space<vmem>>, vector<1x16xf32>,
      %get3A_602 = vector.shape_cast %get3A_601 : vector<1x16xf32> to vector<16xf32>
      %add3A_603 = arith.addf %get3A_602, %get3A_582 : vector<16xf32>
      %add3A_604 = arith.constant 64 : i32
      %add3A_605 = arith.addi %add3A_604, %scan3A_356 : i32
      %swap3A_606 = arith.index_cast %add3A_605 : i32 to index
      %swap3A_607 = arith.constant 112 : index
      %swap3A_608 = tpu.vector_load %arg7[%swap3A_606, %swap3A_607] {strides = array<i32>} : memref<256x128xf32, #tpu.memory_space<vmem>>, vector<1x16xf32>,
      %swap3A_609 = vector.shape_cast %swap3A_608 : vector<1x16xf32> to vector<16xf32>
      %swap3A_610 = vector.shape_cast %add3A_603 : vector<16xf32> to vector<1x16xf32>
      tpu.vector_store %arg7[%swap3A_606, %swap3A_607], %swap3A_610 {strides = array<i32>} : memref<256x128xf32, #tpu.memory_space<vmem>>, vector<1x16xf32>,
    }
    %scan3A_211 = arith.constant 64 : i32
    %add3A_212 = arith.constant 0 : i32
    %add3A_213 = arith.addi %add3A_212, %mul3A_2 : i32
    %dma_start3A_214 = arith.constant 0 : i32
    %dma_start3A_215 = arith.constant 0 : i32
    %dma_start3A_216 = arith.constant 0 : i32
    %dma_start3A_217 = tpu.memref_slice %arg7[%dma_start3A_215, %dma_start3A_216] : memref<256x128xf32, #tpu.memory_space<vmem>> -> memref<64x128xf32, #tpu.memory_space<vmem>>
    %dma_start3A_218 = arith.constant 0 : i32
    %dma_start3A_219 = tpu.memref_slice %arg5[%add3A_213, %dma_start3A_218] : memref<8192x128xf32, #tpu.memory_space<hbm>> -> memref<64x128xf32, #tpu.memory_space<hbm>>
    %dma_start3A_220 = tpu.memref_slice %arg12[%dma_start3A_214] : memref<4x!tpu.dma_semaphore, #tpu.memory_space<semaphore_mem>> -> memref<1x!tpu.dma_semaphore, #tpu.memory_space<semaphore_mem>>
    %dma_start3A_221 = tpu.memref_squeeze %dma_start3A_220 : memref<1x!tpu.dma_semaphore, #tpu.memory_space<semaphore_mem>> -> memref<!tpu.dma_semaphore, #tpu.memory_space<semaphore_mem>>
    %dma_start3A_222 = arith.constant 0 : i32
    %dma_start3A_223 = tpu.memref_slice %arg5[%add3A_213, %dma_start3A_222] : memref<8192x128xf32, #tpu.memory_space<hbm>> -> memref<64x128xf32, #tpu.memory_space<hbm>>
    %dma_start3A_224 = arith.constant 0 : i32
    %dma_start3A_225 = arith.constant 0 : i32
    %dma_start3A_226 = tpu.memref_slice %arg7[%dma_start3A_224, %dma_start3A_225] : memref<256x128xf32, #tpu.memory_space<vmem>> -> memref<64x128xf32, #tpu.memory_space<vmem>>
    tpu.enqueue_dma source(%dma_start3A_226 : memref<64x128xf32, #tpu.memory_space<vmem>>) target(%dma_start3A_223 : memref<64x128xf32, #tpu.memory_space<hbm>>) target_semaphore(%dma_start3A_221 : memref<!tpu.dma_semaphore, #tpu.memory_space<semaphore_mem>>)
    %add3A_227 = arith.constant 2048 : i32
    %add3A_228 = arith.addi %add3A_227, %mul3A_2 : i32
    %dma_start3A_229 = arith.constant 1 : i32
    %dma_start3A_230 = arith.constant 64 : i32
    %dma_start3A_231 = arith.constant 0 : i32
    %dma_start3A_232 = tpu.memref_slice %arg7[%dma_start3A_230, %dma_start3A_231] : memref<256x128xf32, #tpu.memory_space<vmem>> -> memref<64x128xf32, #tpu.memory_space<vmem>>
    %dma_start3A_233 = arith.constant 0 : i32
    %dma_start3A_234 = tpu.memref_slice %arg5[%add3A_228, %dma_start3A_233] : memref<8192x128xf32, #tpu.memory_space<hbm>> -> memref<64x128xf32, #tpu.memory_space<hbm>>
    %dma_start3A_235 = tpu.memref_slice %arg12[%dma_start3A_229] : memref<4x!tpu.dma_semaphore, #tpu.memory_space<semaphore_mem>> -> memref<1x!tpu.dma_semaphore, #tpu.memory_space<semaphore_mem>>
    %dma_start3A_236 = tpu.memref_squeeze %dma_start3A_235 : memref<1x!tpu.dma_semaphore, #tpu.memory_space<semaphore_mem>> -> memref<!tpu.dma_semaphore, #tpu.memory_space<semaphore_mem>>
    %dma_start3A_237 = arith.constant 0 : i32
    %dma_start3A_238 = tpu.memref_slice %arg5[%add3A_228, %dma_start3A_237] : memref<8192x128xf32, #tpu.memory_space<hbm>> -> memref<64x128xf32, #tpu.memory_space<hbm>>
    %dma_start3A_239 = arith.constant 64 : i32
    %dma_start3A_240 = arith.constant 0 : i32
    %dma_start3A_241 = tpu.memref_slice %arg7[%dma_start3A_239, %dma_start3A_240] : memref<256x128xf32, #tpu.memory_space<vmem>> -> memref<64x128xf32, #tpu.memory_space<vmem>>
    tpu.enqueue_dma source(%dma_start3A_241 : memref<64x128xf32, #tpu.memory_space<vmem>>) target(%dma_start3A_238 : memref<64x128xf32, #tpu.memory_space<hbm>>) target_semaphore(%dma_start3A_236 : memref<!tpu.dma_semaphore, #tpu.memory_space<semaphore_mem>>)
    %dma_wait3A_242 = arith.constant 2 : i32
    %dma_wait3A_243 = arith.constant 2 : i32
    %dma_wait3A_244 = arith.constant 128 : i32
    %dma_wait3A_245 = arith.constant 0 : i32
    %dma_wait3A_246 = tpu.memref_slice %arg7[%dma_wait3A_244, %dma_wait3A_245] : memref<256x128xf32, #tpu.memory_space<vmem>> -> memref<64x128xf32, #tpu.memory_space<vmem>>
    %dma_wait3A_247 = arith.constant 0 : i32
    %dma_wait3A_248 = tpu.memref_slice %arg6[%dma_wait3A_242, %dma_wait3A_247] : memref<4x64xi32, #tpu.memory_space<vmem>> -> memref<1x64xi32, #tpu.memory_space<vmem>>
    %dma_wait3A_249 = tpu.memref_squeeze %dma_wait3A_248 : memref<1x64xi32, #tpu.memory_space<vmem>> -> memref<64xi32, #tpu.memory_space<vmem>>
    %dma_wait3A_250 = arith.constant 0 : i32
    %dma_wait3A_251 = arith.constant 0 : i32
    %dma_wait3A_252 = tpu.memref_slice %arg4[%dma_wait3A_250, %dma_wait3A_251] : memref<50001x128xf32, #tpu.memory_space<hbm>> -> memref<50001x128xf32, #tpu.memory_space<hbm>>
    %dma_wait3A_253 = tpu.memref_slice %arg11[%dma_wait3A_243] : memref<4x!tpu.dma_semaphore, #tpu.memory_space<semaphore_mem>> -> memref<1x!tpu.dma_semaphore, #tpu.memory_space<semaphore_mem>>
    %dma_wait3A_254 = tpu.memref_squeeze %dma_wait3A_253 : memref<1x!tpu.dma_semaphore, #tpu.memory_space<semaphore_mem>> -> memref<!tpu.dma_semaphore, #tpu.memory_space<semaphore_mem>>
    tpu.wait_indirect_dma semaphore(%dma_wait3A_254 : memref<!tpu.dma_semaphore, #tpu.memory_space<semaphore_mem>>) src(%dma_wait3A_252 : memref<50001x128xf32, #tpu.memory_space<hbm>>) dst(%dma_wait3A_246 : memref<64x128xf32, #tpu.memory_space<vmem>>)
    %dma_wait3A_255 = arith.constant 3 : i32
    %dma_wait3A_256 = arith.constant 3 : i32
    %dma_wait3A_257 = arith.constant 192 : i32
    %dma_wait3A_258 = arith.constant 0 : i32
    %dma_wait3A_259 = tpu.memref_slice %arg7[%dma_wait3A_257, %dma_wait3A_258] : memref<256x128xf32, #tpu.memory_space<vmem>> -> memref<64x128xf32, #tpu.memory_space<vmem>>
    %dma_wait3A_260 = arith.constant 0 : i32
    %dma_wait3A_261 = tpu.memref_slice %arg6[%dma_wait3A_255, %dma_wait3A_260] : memref<4x64xi32, #tpu.memory_space<vmem>> -> memref<1x64xi32, #tpu.memory_space<vmem>>
    %dma_wait3A_262 = tpu.memref_squeeze %dma_wait3A_261 : memref<1x64xi32, #tpu.memory_space<vmem>> -> memref<64xi32, #tpu.memory_space<vmem>>
    %dma_wait3A_263 = arith.constant 0 : i32
    %dma_wait3A_264 = arith.constant 0 : i32
    %dma_wait3A_265 = tpu.memref_slice %arg4[%dma_wait3A_263, %dma_wait3A_264] : memref<50001x128xf32, #tpu.memory_space<hbm>> -> memref<50001x128xf32, #tpu.memory_space<hbm>>
    %dma_wait3A_266 = tpu.memref_slice %arg11[%dma_wait3A_256] : memref<4x!tpu.dma_semaphore, #tpu.memory_space<semaphore_mem>> -> memref<1x!tpu.dma_semaphore, #tpu.memory_space<semaphore_mem>>
    %dma_wait3A_267 = tpu.memref_squeeze %dma_wait3A_266 : memref<1x!tpu.dma_semaphore, #tpu.memory_space<semaphore_mem>> -> memref<!tpu.dma_semaphore, #tpu.memory_space<semaphore_mem>>
    tpu.wait_indirect_dma semaphore(%dma_wait3A_267 : memref<!tpu.dma_semaphore, #tpu.memory_space<semaphore_mem>>) src(%dma_wait3A_265 : memref<50001x128xf32, #tpu.memory_space<hbm>>) dst(%dma_wait3A_259 : memref<64x128xf32, #tpu.memory_space<vmem>>)
    %scan3A_268 = arith.constant 0 : i32
    %scan3A_269 = arith.constant 0 : i32
    %scan3A_270 = arith.constant 64 : i32
    %scan3A_271 = arith.addi %scan3A_269, %scan3A_270 : i32
    %scan3A_272 = arith.constant 1 : i32
    scf.for %scan3A_356 = %scan3A_269 to %scan3A_271 step %scan3A_272  : i32 {
      %get3A = arith.index_cast %scan3A_356 : i32 to index
      %get3A_357 = arith.constant 0 : index
      %get3A_358 = tpu.vector_load %arg8[%get3A, %get3A_357] {strides = array<i32>} : memref<64x128xf32, #tpu.memory_space<vmem>>, vector<1x16xf32>,
      %get3A_359 = vector.shape_cast %get3A_358 : vector<1x16xf32> to vector<16xf32>
      %add3A_360 = arith.constant 128 : i32
      %add3A_361 = arith.addi %add3A_360, %scan3A_356 : i32
      %get3A_362 = arith.index_cast %add3A_361 : i32 to index
      %get3A_363 = arith.constant 0 : index
      %get3A_364 = tpu.vector_load %arg7[%get3A_362, %get3A_363] {strides = array<i32>} : memref<256x128xf32, #tpu.memory_space<vmem>>, vector<1x16xf32>,
      %get3A_365 = vector.shape_cast %get3A_364 : vector<1x16xf32> to vector<16xf32>
      %add3A_366 = arith.addf %get3A_365, %get3A_359 : vector<16xf32>
      %add3A_367 = arith.constant 128 : i32
      %add3A_368 = arith.addi %add3A_367, %scan3A_356 : i32
      %swap3A = arith.index_cast %add3A_368 : i32 to index
      %swap3A_369 = arith.constant 0 : index
      %swap3A_370 = tpu.vector_load %arg7[%swap3A, %swap3A_369] {strides = array<i32>} : memref<256x128xf32, #tpu.memory_space<vmem>>, vector<1x16xf32>,
      %swap3A_371 = vector.shape_cast %swap3A_370 : vector<1x16xf32> to vector<16xf32>
      %swap3A_372 = vector.shape_cast %add3A_366 : vector<16xf32> to vector<1x16xf32>
      tpu.vector_store %arg7[%swap3A, %swap3A_369], %swap3A_372 {strides = array<i32>} : memref<256x128xf32, #tpu.memory_space<vmem>>, vector<1x16xf32>,
      %add3A_373 = arith.constant 192 : i32
      %add3A_374 = arith.addi %add3A_373, %scan3A_356 : i32
      %get3A_375 = arith.index_cast %add3A_374 : i32 to index
      %get3A_376 = arith.constant 0 : index
      %get3A_377 = tpu.vector_load %arg7[%get3A_375, %get3A_376] {strides = array<i32>} : memref<256x128xf32, #tpu.memory_space<vmem>>, vector<1x16xf32>,
      %get3A_378 = vector.shape_cast %get3A_377 : vector<1x16xf32> to vector<16xf32>
      %add3A_379 = arith.addf %get3A_378, %get3A_359 : vector<16xf32>
      %add3A_380 = arith.constant 192 : i32
      %add3A_381 = arith.addi %add3A_380, %scan3A_356 : i32
      %swap3A_382 = arith.index_cast %add3A_381 : i32 to index
      %swap3A_383 = arith.constant 0 : index
      %swap3A_384 = tpu.vector_load %arg7[%swap3A_382, %swap3A_383] {strides = array<i32>} : memref<256x128xf32, #tpu.memory_space<vmem>>, vector<1x16xf32>,
      %swap3A_385 = vector.shape_cast %swap3A_384 : vector<1x16xf32> to vector<16xf32>
      %swap3A_386 = vector.shape_cast %add3A_379 : vector<16xf32> to vector<1x16xf32>
      tpu.vector_store %arg7[%swap3A_382, %swap3A_383], %swap3A_386 {strides = array<i32>} : memref<256x128xf32, #tpu.memory_space<vmem>>, vector<1x16xf32>,
      %get3A_387 = arith.index_cast %scan3A_356 : i32 to index
      %get3A_388 = arith.constant 16 : index
      %get3A_389 = tpu.vector_load %arg8[%get3A_387, %get3A_388] {strides = array<i32>} : memref<64x128xf32, #tpu.memory_space<vmem>>, vector<1x16xf32>,
      %get3A_390 = vector.shape_cast %get3A_389 : vector<1x16xf32> to vector<16xf32>
      %add3A_391 = arith.constant 128 : i32
      %add3A_392 = arith.addi %add3A_391, %scan3A_356 : i32
      %get3A_393 = arith.index_cast %add3A_392 : i32 to index
      %get3A_394 = arith.constant 16 : index
      %get3A_395 = tpu.vector_load %arg7[%get3A_393, %get3A_394] {strides = array<i32>} : memref<256x128xf32, #tpu.memory_space<vmem>>, vector<1x16xf32>,
      %get3A_396 = vector.shape_cast %get3A_395 : vector<1x16xf32> to vector<16xf32>
      %add3A_397 = arith.addf %get3A_396, %get3A_390 : vector<16xf32>
      %add3A_398 = arith.constant 128 : i32
      %add3A_399 = arith.addi %add3A_398, %scan3A_356 : i32
      %swap3A_400 = arith.index_cast %add3A_399 : i32 to index
      %swap3A_401 = arith.constant 16 : index
      %swap3A_402 = tpu.vector_load %arg7[%swap3A_400, %swap3A_401] {strides = array<i32>} : memref<256x128xf32, #tpu.memory_space<vmem>>, vector<1x16xf32>,
      %swap3A_403 = vector.shape_cast %swap3A_402 : vector<1x16xf32> to vector<16xf32>
      %swap3A_404 = vector.shape_cast %add3A_397 : vector<16xf32> to vector<1x16xf32>
      tpu.vector_store %arg7[%swap3A_400, %swap3A_401], %swap3A_404 {strides = array<i32>} : memref<256x128xf32, #tpu.memory_space<vmem>>, vector<1x16xf32>,
      %add3A_405 = arith.constant 192 : i32
      %add3A_406 = arith.addi %add3A_405, %scan3A_356 : i32
      %get3A_407 = arith.index_cast %add3A_406 : i32 to index
      %get3A_408 = arith.constant 16 : index
      %get3A_409 = tpu.vector_load %arg7[%get3A_407, %get3A_408] {strides = array<i32>} : memref<256x128xf32, #tpu.memory_space<vmem>>, vector<1x16xf32>,
      %get3A_410 = vector.shape_cast %get3A_409 : vector<1x16xf32> to vector<16xf32>
      %add3A_411 = arith.addf %get3A_410, %get3A_390 : vector<16xf32>
      %add3A_412 = arith.constant 192 : i32
      %add3A_413 = arith.addi %add3A_412, %scan3A_356 : i32
      %swap3A_414 = arith.index_cast %add3A_413 : i32 to index
      %swap3A_415 = arith.constant 16 : index
      %swap3A_416 = tpu.vector_load %arg7[%swap3A_414, %swap3A_415] {strides = array<i32>} : memref<256x128xf32, #tpu.memory_space<vmem>>, vector<1x16xf32>,
      %swap3A_417 = vector.shape_cast %swap3A_416 : vector<1x16xf32> to vector<16xf32>
      %swap3A_418 = vector.shape_cast %add3A_411 : vector<16xf32> to vector<1x16xf32>
      tpu.vector_store %arg7[%swap3A_414, %swap3A_415], %swap3A_418 {strides = array<i32>} : memref<256x128xf32, #tpu.memory_space<vmem>>, vector<1x16xf32>,
      %get3A_419 = arith.index_cast %scan3A_356 : i32 to index
      %get3A_420 = arith.constant 32 : index
      %get3A_421 = tpu.vector_load %arg8[%get3A_419, %get3A_420] {strides = array<i32>} : memref<64x128xf32, #tpu.memory_space<vmem>>, vector<1x16xf32>,
      %get3A_422 = vector.shape_cast %get3A_421 : vector<1x16xf32> to vector<16xf32>
      %add3A_423 = arith.constant 128 : i32
      %add3A_424 = arith.addi %add3A_423, %scan3A_356 : i32
      %get3A_425 = arith.index_cast %add3A_424 : i32 to index
      %get3A_426 = arith.constant 32 : index
      %get3A_427 = tpu.vector_load %arg7[%get3A_425, %get3A_426] {strides = array<i32>} : memref<256x128xf32, #tpu.memory_space<vmem>>, vector<1x16xf32>,
      %get3A_428 = vector.shape_cast %get3A_427 : vector<1x16xf32> to vector<16xf32>
      %add3A_429 = arith.addf %get3A_428, %get3A_422 : vector<16xf32>
      %add3A_430 = arith.constant 128 : i32
      %add3A_431 = arith.addi %add3A_430, %scan3A_356 : i32
      %swap3A_432 = arith.index_cast %add3A_431 : i32 to index
      %swap3A_433 = arith.constant 32 : index
      %swap3A_434 = tpu.vector_load %arg7[%swap3A_432, %swap3A_433] {strides = array<i32>} : memref<256x128xf32, #tpu.memory_space<vmem>>, vector<1x16xf32>,
      %swap3A_435 = vector.shape_cast %swap3A_434 : vector<1x16xf32> to vector<16xf32>
      %swap3A_436 = vector.shape_cast %add3A_429 : vector<16xf32> to vector<1x16xf32>
      tpu.vector_store %arg7[%swap3A_432, %swap3A_433], %swap3A_436 {strides = array<i32>} : memref<256x128xf32, #tpu.memory_space<vmem>>, vector<1x16xf32>,
      %add3A_437 = arith.constant 192 : i32
      %add3A_438 = arith.addi %add3A_437, %scan3A_356 : i32
      %get3A_439 = arith.index_cast %add3A_438 : i32 to index
      %get3A_440 = arith.constant 32 : index
      %get3A_441 = tpu.vector_load %arg7[%get3A_439, %get3A_440] {strides = array<i32>} : memref<256x128xf32, #tpu.memory_space<vmem>>, vector<1x16xf32>,
      %get3A_442 = vector.shape_cast %get3A_441 : vector<1x16xf32> to vector<16xf32>
      %add3A_443 = arith.addf %get3A_442, %get3A_422 : vector<16xf32>
      %add3A_444 = arith.constant 192 : i32
      %add3A_445 = arith.addi %add3A_444, %scan3A_356 : i32
      %swap3A_446 = arith.index_cast %add3A_445 : i32 to index
      %swap3A_447 = arith.constant 32 : index
      %swap3A_448 = tpu.vector_load %arg7[%swap3A_446, %swap3A_447] {strides = array<i32>} : memref<256x128xf32, #tpu.memory_space<vmem>>, vector<1x16xf32>,
      %swap3A_449 = vector.shape_cast %swap3A_448 : vector<1x16xf32> to vector<16xf32>
      %swap3A_450 = vector.shape_cast %add3A_443 : vector<16xf32> to vector<1x16xf32>
      tpu.vector_store %arg7[%swap3A_446, %swap3A_447], %swap3A_450 {strides = array<i32>} : memref<256x128xf32, #tpu.memory_space<vmem>>, vector<1x16xf32>,
      %get3A_451 = arith.index_cast %scan3A_356 : i32 to index
      %get3A_452 = arith.constant 48 : index
      %get3A_453 = tpu.vector_load %arg8[%get3A_451, %get3A_452] {strides = array<i32>} : memref<64x128xf32, #tpu.memory_space<vmem>>, vector<1x16xf32>,
      %get3A_454 = vector.shape_cast %get3A_453 : vector<1x16xf32> to vector<16xf32>
      %add3A_455 = arith.constant 128 : i32
      %add3A_456 = arith.addi %add3A_455, %scan3A_356 : i32
      %get3A_457 = arith.index_cast %add3A_456 : i32 to index
      %get3A_458 = arith.constant 48 : index
      %get3A_459 = tpu.vector_load %arg7[%get3A_457, %get3A_458] {strides = array<i32>} : memref<256x128xf32, #tpu.memory_space<vmem>>, vector<1x16xf32>,
      %get3A_460 = vector.shape_cast %get3A_459 : vector<1x16xf32> to vector<16xf32>
      %add3A_461 = arith.addf %get3A_460, %get3A_454 : vector<16xf32>
      %add3A_462 = arith.constant 128 : i32
      %add3A_463 = arith.addi %add3A_462, %scan3A_356 : i32
      %swap3A_464 = arith.index_cast %add3A_463 : i32 to index
      %swap3A_465 = arith.constant 48 : index
      %swap3A_466 = tpu.vector_load %arg7[%swap3A_464, %swap3A_465] {strides = array<i32>} : memref<256x128xf32, #tpu.memory_space<vmem>>, vector<1x16xf32>,
      %swap3A_467 = vector.shape_cast %swap3A_466 : vector<1x16xf32> to vector<16xf32>
      %swap3A_468 = vector.shape_cast %add3A_461 : vector<16xf32> to vector<1x16xf32>
      tpu.vector_store %arg7[%swap3A_464, %swap3A_465], %swap3A_468 {strides = array<i32>} : memref<256x128xf32, #tpu.memory_space<vmem>>, vector<1x16xf32>,
      %add3A_469 = arith.constant 192 : i32
      %add3A_470 = arith.addi %add3A_469, %scan3A_356 : i32
      %get3A_471 = arith.index_cast %add3A_470 : i32 to index
      %get3A_472 = arith.constant 48 : index
      %get3A_473 = tpu.vector_load %arg7[%get3A_471, %get3A_472] {strides = array<i32>} : memref<256x128xf32, #tpu.memory_space<vmem>>, vector<1x16xf32>,
      %get3A_474 = vector.shape_cast %get3A_473 : vector<1x16xf32> to vector<16xf32>
      %add3A_475 = arith.addf %get3A_474, %get3A_454 : vector<16xf32>
      %add3A_476 = arith.constant 192 : i32
      %add3A_477 = arith.addi %add3A_476, %scan3A_356 : i32
      %swap3A_478 = arith.index_cast %add3A_477 : i32 to index
      %swap3A_479 = arith.constant 48 : index
      %swap3A_480 = tpu.vector_load %arg7[%swap3A_478, %swap3A_479] {strides = array<i32>} : memref<256x128xf32, #tpu.memory_space<vmem>>, vector<1x16xf32>,
      %swap3A_481 = vector.shape_cast %swap3A_480 : vector<1x16xf32> to vector<16xf32>
      %swap3A_482 = vector.shape_cast %add3A_475 : vector<16xf32> to vector<1x16xf32>
      tpu.vector_store %arg7[%swap3A_478, %swap3A_479], %swap3A_482 {strides = array<i32>} : memref<256x128xf32, #tpu.memory_space<vmem>>, vector<1x16xf32>,
      %get3A_483 = arith.index_cast %scan3A_356 : i32 to index
      %get3A_484 = arith.constant 64 : index
      %get3A_485 = tpu.vector_load %arg8[%get3A_483, %get3A_484] {strides = array<i32>} : memref<64x128xf32, #tpu.memory_space<vmem>>, vector<1x16xf32>,
      %get3A_486 = vector.shape_cast %get3A_485 : vector<1x16xf32> to vector<16xf32>
      %add3A_487 = arith.constant 128 : i32
      %add3A_488 = arith.addi %add3A_487, %scan3A_356 : i32
      %get3A_489 = arith.index_cast %add3A_488 : i32 to index
      %get3A_490 = arith.constant 64 : index
      %get3A_491 = tpu.vector_load %arg7[%get3A_489, %get3A_490] {strides = array<i32>} : memref<256x128xf32, #tpu.memory_space<vmem>>, vector<1x16xf32>,
      %get3A_492 = vector.shape_cast %get3A_491 : vector<1x16xf32> to vector<16xf32>
      %add3A_493 = arith.addf %get3A_492, %get3A_486 : vector<16xf32>
      %add3A_494 = arith.constant 128 : i32
      %add3A_495 = arith.addi %add3A_494, %scan3A_356 : i32
      %swap3A_496 = arith.index_cast %add3A_495 : i32 to index
      %swap3A_497 = arith.constant 64 : index
      %swap3A_498 = tpu.vector_load %arg7[%swap3A_496, %swap3A_497] {strides = array<i32>} : memref<256x128xf32, #tpu.memory_space<vmem>>, vector<1x16xf32>,
      %swap3A_499 = vector.shape_cast %swap3A_498 : vector<1x16xf32> to vector<16xf32>
      %swap3A_500 = vector.shape_cast %add3A_493 : vector<16xf32> to vector<1x16xf32>
      tpu.vector_store %arg7[%swap3A_496, %swap3A_497], %swap3A_500 {strides = array<i32>} : memref<256x128xf32, #tpu.memory_space<vmem>>, vector<1x16xf32>,
      %add3A_501 = arith.constant 192 : i32
      %add3A_502 = arith.addi %add3A_501, %scan3A_356 : i32
      %get3A_503 = arith.index_cast %add3A_502 : i32 to index
      %get3A_504 = arith.constant 64 : index
      %get3A_505 = tpu.vector_load %arg7[%get3A_503, %get3A_504] {strides = array<i32>} : memref<256x128xf32, #tpu.memory_space<vmem>>, vector<1x16xf32>,
      %get3A_506 = vector.shape_cast %get3A_505 : vector<1x16xf32> to vector<16xf32>
      %add3A_507 = arith.addf %get3A_506, %get3A_486 : vector<16xf32>
      %add3A_508 = arith.constant 192 : i32
      %add3A_509 = arith.addi %add3A_508, %scan3A_356 : i32
      %swap3A_510 = arith.index_cast %add3A_509 : i32 to index
      %swap3A_511 = arith.constant 64 : index
      %swap3A_512 = tpu.vector_load %arg7[%swap3A_510, %swap3A_511] {strides = array<i32>} : memref<256x128xf32, #tpu.memory_space<vmem>>, vector<1x16xf32>,
      %swap3A_513 = vector.shape_cast %swap3A_512 : vector<1x16xf32> to vector<16xf32>
      %swap3A_514 = vector.shape_cast %add3A_507 : vector<16xf32> to vector<1x16xf32>
      tpu.vector_store %arg7[%swap3A_510, %swap3A_511], %swap3A_514 {strides = array<i32>} : memref<256x128xf32, #tpu.memory_space<vmem>>, vector<1x16xf32>,
      %get3A_515 = arith.index_cast %scan3A_356 : i32 to index
      %get3A_516 = arith.constant 80 : index
      %get3A_517 = tpu.vector_load %arg8[%get3A_515, %get3A_516] {strides = array<i32>} : memref<64x128xf32, #tpu.memory_space<vmem>>, vector<1x16xf32>,
      %get3A_518 = vector.shape_cast %get3A_517 : vector<1x16xf32> to vector<16xf32>
      %add3A_519 = arith.constant 128 : i32
      %add3A_520 = arith.addi %add3A_519, %scan3A_356 : i32
      %get3A_521 = arith.index_cast %add3A_520 : i32 to index
      %get3A_522 = arith.constant 80 : index
      %get3A_523 = tpu.vector_load %arg7[%get3A_521, %get3A_522] {strides = array<i32>} : memref<256x128xf32, #tpu.memory_space<vmem>>, vector<1x16xf32>,
      %get3A_524 = vector.shape_cast %get3A_523 : vector<1x16xf32> to vector<16xf32>
      %add3A_525 = arith.addf %get3A_524, %get3A_518 : vector<16xf32>
      %add3A_526 = arith.constant 128 : i32
      %add3A_527 = arith.addi %add3A_526, %scan3A_356 : i32
      %swap3A_528 = arith.index_cast %add3A_527 : i32 to index
      %swap3A_529 = arith.constant 80 : index
      %swap3A_530 = tpu.vector_load %arg7[%swap3A_528, %swap3A_529] {strides = array<i32>} : memref<256x128xf32, #tpu.memory_space<vmem>>, vector<1x16xf32>,
      %swap3A_531 = vector.shape_cast %swap3A_530 : vector<1x16xf32> to vector<16xf32>
      %swap3A_532 = vector.shape_cast %add3A_525 : vector<16xf32> to vector<1x16xf32>
      tpu.vector_store %arg7[%swap3A_528, %swap3A_529], %swap3A_532 {strides = array<i32>} : memref<256x128xf32, #tpu.memory_space<vmem>>, vector<1x16xf32>,
      %add3A_533 = arith.constant 192 : i32
      %add3A_534 = arith.addi %add3A_533, %scan3A_356 : i32
      %get3A_535 = arith.index_cast %add3A_534 : i32 to index
      %get3A_536 = arith.constant 80 : index
      %get3A_537 = tpu.vector_load %arg7[%get3A_535, %get3A_536] {strides = array<i32>} : memref<256x128xf32, #tpu.memory_space<vmem>>, vector<1x16xf32>,
      %get3A_538 = vector.shape_cast %get3A_537 : vector<1x16xf32> to vector<16xf32>
      %add3A_539 = arith.addf %get3A_538, %get3A_518 : vector<16xf32>
      %add3A_540 = arith.constant 192 : i32
      %add3A_541 = arith.addi %add3A_540, %scan3A_356 : i32
      %swap3A_542 = arith.index_cast %add3A_541 : i32 to index
      %swap3A_543 = arith.constant 80 : index
      %swap3A_544 = tpu.vector_load %arg7[%swap3A_542, %swap3A_543] {strides = array<i32>} : memref<256x128xf32, #tpu.memory_space<vmem>>, vector<1x16xf32>,
      %swap3A_545 = vector.shape_cast %swap3A_544 : vector<1x16xf32> to vector<16xf32>
      %swap3A_546 = vector.shape_cast %add3A_539 : vector<16xf32> to vector<1x16xf32>
      tpu.vector_store %arg7[%swap3A_542, %swap3A_543], %swap3A_546 {strides = array<i32>} : memref<256x128xf32, #tpu.memory_space<vmem>>, vector<1x16xf32>,
      %get3A_547 = arith.index_cast %scan3A_356 : i32 to index
      %get3A_548 = arith.constant 96 : index
      %get3A_549 = tpu.vector_load %arg8[%get3A_547, %get3A_548] {strides = array<i32>} : memref<64x128xf32, #tpu.memory_space<vmem>>, vector<1x16xf32>,
      %get3A_550 = vector.shape_cast %get3A_549 : vector<1x16xf32> to vector<16xf32>
      %add3A_551 = arith.constant 128 : i32
      %add3A_552 = arith.addi %add3A_551, %scan3A_356 : i32
      %get3A_553 = arith.index_cast %add3A_552 : i32 to index
      %get3A_554 = arith.constant 96 : index
      %get3A_555 = tpu.vector_load %arg7[%get3A_553, %get3A_554] {strides = array<i32>} : memref<256x128xf32, #tpu.memory_space<vmem>>, vector<1x16xf32>,
      %get3A_556 = vector.shape_cast %get3A_555 : vector<1x16xf32> to vector<16xf32>
      %add3A_557 = arith.addf %get3A_556, %get3A_550 : vector<16xf32>
      %add3A_558 = arith.constant 128 : i32
      %add3A_559 = arith.addi %add3A_558, %scan3A_356 : i32
      %swap3A_560 = arith.index_cast %add3A_559 : i32 to index
      %swap3A_561 = arith.constant 96 : index
      %swap3A_562 = tpu.vector_load %arg7[%swap3A_560, %swap3A_561] {strides = array<i32>} : memref<256x128xf32, #tpu.memory_space<vmem>>, vector<1x16xf32>,
      %swap3A_563 = vector.shape_cast %swap3A_562 : vector<1x16xf32> to vector<16xf32>
      %swap3A_564 = vector.shape_cast %add3A_557 : vector<16xf32> to vector<1x16xf32>
      tpu.vector_store %arg7[%swap3A_560, %swap3A_561], %swap3A_564 {strides = array<i32>} : memref<256x128xf32, #tpu.memory_space<vmem>>, vector<1x16xf32>,
      %add3A_565 = arith.constant 192 : i32
      %add3A_566 = arith.addi %add3A_565, %scan3A_356 : i32
      %get3A_567 = arith.index_cast %add3A_566 : i32 to index
      %get3A_568 = arith.constant 96 : index
      %get3A_569 = tpu.vector_load %arg7[%get3A_567, %get3A_568] {strides = array<i32>} : memref<256x128xf32, #tpu.memory_space<vmem>>, vector<1x16xf32>,
      %get3A_570 = vector.shape_cast %get3A_569 : vector<1x16xf32> to vector<16xf32>
      %add3A_571 = arith.addf %get3A_570, %get3A_550 : vector<16xf32>
      %add3A_572 = arith.constant 192 : i32
      %add3A_573 = arith.addi %add3A_572, %scan3A_356 : i32
      %swap3A_574 = arith.index_cast %add3A_573 : i32 to index
      %swap3A_575 = arith.constant 96 : index
      %swap3A_576 = tpu.vector_load %arg7[%swap3A_574, %swap3A_575] {strides = array<i32>} : memref<256x128xf32, #tpu.memory_space<vmem>>, vector<1x16xf32>,
      %swap3A_577 = vector.shape_cast %swap3A_576 : vector<1x16xf32> to vector<16xf32>
      %swap3A_578 = vector.shape_cast %add3A_571 : vector<16xf32> to vector<1x16xf32>
      tpu.vector_store %arg7[%swap3A_574, %swap3A_575], %swap3A_578 {strides = array<i32>} : memref<256x128xf32, #tpu.memory_space<vmem>>, vector<1x16xf32>,
      %get3A_579 = arith.index_cast %scan3A_356 : i32 to index
      %get3A_580 = arith.constant 112 : index
      %get3A_581 = tpu.vector_load %arg8[%get3A_579, %get3A_580] {strides = array<i32>} : memref<64x128xf32, #tpu.memory_space<vmem>>, vector<1x16xf32>,
      %get3A_582 = vector.shape_cast %get3A_581 : vector<1x16xf32> to vector<16xf32>
      %add3A_583 = arith.constant 128 : i32
      %add3A_584 = arith.addi %add3A_583, %scan3A_356 : i32
      %get3A_585 = arith.index_cast %add3A_584 : i32 to index
      %get3A_586 = arith.constant 112 : index
      %get3A_587 = tpu.vector_load %arg7[%get3A_585, %get3A_586] {strides = array<i32>} : memref<256x128xf32, #tpu.memory_space<vmem>>, vector<1x16xf32>,
      %get3A_588 = vector.shape_cast %get3A_587 : vector<1x16xf32> to vector<16xf32>
      %add3A_589 = arith.addf %get3A_588, %get3A_582 : vector<16xf32>
      %add3A_590 = arith.constant 128 : i32
      %add3A_591 = arith.addi %add3A_590, %scan3A_356 : i32
      %swap3A_592 = arith.index_cast %add3A_591 : i32 to index
      %swap3A_593 = arith.constant 112 : index
      %swap3A_594 = tpu.vector_load %arg7[%swap3A_592, %swap3A_593] {strides = array<i32>} : memref<256x128xf32, #tpu.memory_space<vmem>>, vector<1x16xf32>,
      %swap3A_595 = vector.shape_cast %swap3A_594 : vector<1x16xf32> to vector<16xf32>
      %swap3A_596 = vector.shape_cast %add3A_589 : vector<16xf32> to vector<1x16xf32>
      tpu.vector_store %arg7[%swap3A_592, %swap3A_593], %swap3A_596 {strides = array<i32>} : memref<256x128xf32, #tpu.memory_space<vmem>>, vector<1x16xf32>,
      %add3A_597 = arith.constant 192 : i32
      %add3A_598 = arith.addi %add3A_597, %scan3A_356 : i32
      %get3A_599 = arith.index_cast %add3A_598 : i32 to index
      %get3A_600 = arith.constant 112 : index
      %get3A_601 = tpu.vector_load %arg7[%get3A_599, %get3A_600] {strides = array<i32>} : memref<256x128xf32, #tpu.memory_space<vmem>>, vector<1x16xf32>,
      %get3A_602 = vector.shape_cast %get3A_601 : vector<1x16xf32> to vector<16xf32>
      %add3A_603 = arith.addf %get3A_602, %get3A_582 : vector<16xf32>
      %add3A_604 = arith.constant 192 : i32
      %add3A_605 = arith.addi %add3A_604, %scan3A_356 : i32
      %swap3A_606 = arith.index_cast %add3A_605 : i32 to index
      %swap3A_607 = arith.constant 112 : index
      %swap3A_608 = tpu.vector_load %arg7[%swap3A_606, %swap3A_607] {strides = array<i32>} : memref<256x128xf32, #tpu.memory_space<vmem>>, vector<1x16xf32>,
      %swap3A_609 = vector.shape_cast %swap3A_608 : vector<1x16xf32> to vector<16xf32>
      %swap3A_610 = vector.shape_cast %add3A_603 : vector<16xf32> to vector<1x16xf32>
      tpu.vector_store %arg7[%swap3A_606, %swap3A_607], %swap3A_610 {strides = array<i32>} : memref<256x128xf32, #tpu.memory_space<vmem>>, vector<1x16xf32>,
    }
    %scan3A_273 = arith.constant 64 : i32
    %add3A_274 = arith.constant 4096 : i32
    %add3A_275 = arith.addi %add3A_274, %mul3A_2 : i32
    %dma_start3A_276 = arith.constant 2 : i32
    %dma_start3A_277 = arith.constant 128 : i32
    %dma_start3A_278 = arith.constant 0 : i32
    %dma_start3A_279 = tpu.memref_slice %arg7[%dma_start3A_277, %dma_start3A_278] : memref<256x128xf32, #tpu.memory_space<vmem>> -> memref<64x128xf32, #tpu.memory_space<vmem>>
    %dma_start3A_280 = arith.constant 0 : i32
    %dma_start3A_281 = tpu.memref_slice %arg5[%add3A_275, %dma_start3A_280] : memref<8192x128xf32, #tpu.memory_space<hbm>> -> memref<64x128xf32, #tpu.memory_space<hbm>>
    %dma_start3A_282 = tpu.memref_slice %arg12[%dma_start3A_276] : memref<4x!tpu.dma_semaphore, #tpu.memory_space<semaphore_mem>> -> memref<1x!tpu.dma_semaphore, #tpu.memory_space<semaphore_mem>>
    %dma_start3A_283 = tpu.memref_squeeze %dma_start3A_282 : memref<1x!tpu.dma_semaphore, #tpu.memory_space<semaphore_mem>> -> memref<!tpu.dma_semaphore, #tpu.memory_space<semaphore_mem>>
    %dma_start3A_284 = arith.constant 0 : i32
    %dma_start3A_285 = tpu.memref_slice %arg5[%add3A_275, %dma_start3A_284] : memref<8192x128xf32, #tpu.memory_space<hbm>> -> memref<64x128xf32, #tpu.memory_space<hbm>>
    %dma_start3A_286 = arith.constant 128 : i32
    %dma_start3A_287 = arith.constant 0 : i32
    %dma_start3A_288 = tpu.memref_slice %arg7[%dma_start3A_286, %dma_start3A_287] : memref<256x128xf32, #tpu.memory_space<vmem>> -> memref<64x128xf32, #tpu.memory_space<vmem>>
    tpu.enqueue_dma source(%dma_start3A_288 : memref<64x128xf32, #tpu.memory_space<vmem>>) target(%dma_start3A_285 : memref<64x128xf32, #tpu.memory_space<hbm>>) target_semaphore(%dma_start3A_283 : memref<!tpu.dma_semaphore, #tpu.memory_space<semaphore_mem>>)
    %add3A_289 = arith.constant 6144 : i32
    %add3A_290 = arith.addi %add3A_289, %mul3A_2 : i32
    %dma_start3A_291 = arith.constant 3 : i32
    %dma_start3A_292 = arith.constant 192 : i32
    %dma_start3A_293 = arith.constant 0 : i32
    %dma_start3A_294 = tpu.memref_slice %arg7[%dma_start3A_292, %dma_start3A_293] : memref<256x128xf32, #tpu.memory_space<vmem>> -> memref<64x128xf32, #tpu.memory_space<vmem>>
    %dma_start3A_295 = arith.constant 0 : i32
    %dma_start3A_296 = tpu.memref_slice %arg5[%add3A_290, %dma_start3A_295] : memref<8192x128xf32, #tpu.memory_space<hbm>> -> memref<64x128xf32, #tpu.memory_space<hbm>>
    %dma_start3A_297 = tpu.memref_slice %arg12[%dma_start3A_291] : memref<4x!tpu.dma_semaphore, #tpu.memory_space<semaphore_mem>> -> memref<1x!tpu.dma_semaphore, #tpu.memory_space<semaphore_mem>>
    %dma_start3A_298 = tpu.memref_squeeze %dma_start3A_297 : memref<1x!tpu.dma_semaphore, #tpu.memory_space<semaphore_mem>> -> memref<!tpu.dma_semaphore, #tpu.memory_space<semaphore_mem>>
    %dma_start3A_299 = arith.constant 0 : i32
    %dma_start3A_300 = tpu.memref_slice %arg5[%add3A_290, %dma_start3A_299] : memref<8192x128xf32, #tpu.memory_space<hbm>> -> memref<64x128xf32, #tpu.memory_space<hbm>>
    %dma_start3A_301 = arith.constant 192 : i32
    %dma_start3A_302 = arith.constant 0 : i32
    %dma_start3A_303 = tpu.memref_slice %arg7[%dma_start3A_301, %dma_start3A_302] : memref<256x128xf32, #tpu.memory_space<vmem>> -> memref<64x128xf32, #tpu.memory_space<vmem>>
    tpu.enqueue_dma source(%dma_start3A_303 : memref<64x128xf32, #tpu.memory_space<vmem>>) target(%dma_start3A_300 : memref<64x128xf32, #tpu.memory_space<hbm>>) target_semaphore(%dma_start3A_298 : memref<!tpu.dma_semaphore, #tpu.memory_space<semaphore_mem>>)
    %dma_wait3A_304 = arith.constant 0 : i32
    %dma_wait3A_305 = arith.constant 0 : i32
    %dma_wait3A_306 = arith.constant 0 : i32
    %dma_wait3A_307 = tpu.memref_slice %arg7[%dma_wait3A_305, %dma_wait3A_306] : memref<256x128xf32, #tpu.memory_space<vmem>> -> memref<64x128xf32, #tpu.memory_space<vmem>>
    %dma_wait3A_308 = arith.constant 0 : i32
    %dma_wait3A_309 = tpu.memref_slice %arg5[%add3A_213, %dma_wait3A_308] : memref<8192x128xf32, #tpu.memory_space<hbm>> -> memref<64x128xf32, #tpu.memory_space<hbm>>
    %dma_wait3A_310 = tpu.memref_slice %arg12[%dma_wait3A_304] : memref<4x!tpu.dma_semaphore, #tpu.memory_space<semaphore_mem>> -> memref<1x!tpu.dma_semaphore, #tpu.memory_space<semaphore_mem>>
    %dma_wait3A_311 = tpu.memref_squeeze %dma_wait3A_310 : memref<1x!tpu.dma_semaphore, #tpu.memory_space<semaphore_mem>> -> memref<!tpu.dma_semaphore, #tpu.memory_space<semaphore_mem>>
    %dma_wait3A_312 = arith.constant 0 : i32
    %dma_wait3A_313 = tpu.memref_slice %arg5[%add3A_213, %dma_wait3A_312] : memref<8192x128xf32, #tpu.memory_space<hbm>> -> memref<64x128xf32, #tpu.memory_space<hbm>>
    %dma_wait3A_314 = arith.constant 0 : i32
    %dma_wait3A_315 = arith.constant 0 : i32
    %dma_wait3A_316 = tpu.memref_slice %arg7[%dma_wait3A_314, %dma_wait3A_315] : memref<256x128xf32, #tpu.memory_space<vmem>> -> memref<64x128xf32, #tpu.memory_space<vmem>>
    tpu.wait_dma2 semaphore(%dma_wait3A_311 : memref<!tpu.dma_semaphore, #tpu.memory_space<semaphore_mem>>) src(%dma_wait3A_316 : memref<64x128xf32, #tpu.memory_space<vmem>>) dst(%dma_wait3A_313 : memref<64x128xf32, #tpu.memory_space<hbm>>)
    %dma_wait3A_317 = arith.constant 1 : i32
    %dma_wait3A_318 = arith.constant 64 : i32
    %dma_wait3A_319 = arith.constant 0 : i32
    %dma_wait3A_320 = tpu.memref_slice %arg7[%dma_wait3A_318, %dma_wait3A_319] : memref<256x128xf32, #tpu.memory_space<vmem>> -> memref<64x128xf32, #tpu.memory_space<vmem>>
    %dma_wait3A_321 = arith.constant 0 : i32
    %dma_wait3A_322 = tpu.memref_slice %arg5[%add3A_228, %dma_wait3A_321] : memref<8192x128xf32, #tpu.memory_space<hbm>> -> memref<64x128xf32, #tpu.memory_space<hbm>>
    %dma_wait3A_323 = tpu.memref_slice %arg12[%dma_wait3A_317] : memref<4x!tpu.dma_semaphore, #tpu.memory_space<semaphore_mem>> -> memref<1x!tpu.dma_semaphore, #tpu.memory_space<semaphore_mem>>
    %dma_wait3A_324 = tpu.memref_squeeze %dma_wait3A_323 : memref<1x!tpu.dma_semaphore, #tpu.memory_space<semaphore_mem>> -> memref<!tpu.dma_semaphore, #tpu.memory_space<semaphore_mem>>
    %dma_wait3A_325 = arith.constant 0 : i32
    %dma_wait3A_326 = tpu.memref_slice %arg5[%add3A_228, %dma_wait3A_325] : memref<8192x128xf32, #tpu.memory_space<hbm>> -> memref<64x128xf32, #tpu.memory_space<hbm>>
    %dma_wait3A_327 = arith.constant 64 : i32
    %dma_wait3A_328 = arith.constant 0 : i32
    %dma_wait3A_329 = tpu.memref_slice %arg7[%dma_wait3A_327, %dma_wait3A_328] : memref<256x128xf32, #tpu.memory_space<vmem>> -> memref<64x128xf32, #tpu.memory_space<vmem>>
    tpu.wait_dma2 semaphore(%dma_wait3A_324 : memref<!tpu.dma_semaphore, #tpu.memory_space<semaphore_mem>>) src(%dma_wait3A_329 : memref<64x128xf32, #tpu.memory_space<vmem>>) dst(%dma_wait3A_326 : memref<64x128xf32, #tpu.memory_space<hbm>>)
    %dma_wait3A_330 = arith.constant 2 : i32
    %dma_wait3A_331 = arith.constant 128 : i32
    %dma_wait3A_332 = arith.constant 0 : i32
    %dma_wait3A_333 = tpu.memref_slice %arg7[%dma_wait3A_331, %dma_wait3A_332] : memref<256x128xf32, #tpu.memory_space<vmem>> -> memref<64x128xf32, #tpu.memory_space<vmem>>
    %dma_wait3A_334 = arith.constant 0 : i32
    %dma_wait3A_335 = tpu.memref_slice %arg5[%add3A_275, %dma_wait3A_334] : memref<8192x128xf32, #tpu.memory_space<hbm>> -> memref<64x128xf32, #tpu.memory_space<hbm>>
    %dma_wait3A_336 = tpu.memref_slice %arg12[%dma_wait3A_330] : memref<4x!tpu.dma_semaphore, #tpu.memory_space<semaphore_mem>> -> memref<1x!tpu.dma_semaphore, #tpu.memory_space<semaphore_mem>>
    %dma_wait3A_337 = tpu.memref_squeeze %dma_wait3A_336 : memref<1x!tpu.dma_semaphore, #tpu.memory_space<semaphore_mem>> -> memref<!tpu.dma_semaphore, #tpu.memory_space<semaphore_mem>>
    %dma_wait3A_338 = arith.constant 0 : i32
    %dma_wait3A_339 = tpu.memref_slice %arg5[%add3A_275, %dma_wait3A_338] : memref<8192x128xf32, #tpu.memory_space<hbm>> -> memref<64x128xf32, #tpu.memory_space<hbm>>
    %dma_wait3A_340 = arith.constant 128 : i32
    %dma_wait3A_341 = arith.constant 0 : i32
    %dma_wait3A_342 = tpu.memref_slice %arg7[%dma_wait3A_340, %dma_wait3A_341] : memref<256x128xf32, #tpu.memory_space<vmem>> -> memref<64x128xf32, #tpu.memory_space<vmem>>
    tpu.wait_dma2 semaphore(%dma_wait3A_337 : memref<!tpu.dma_semaphore, #tpu.memory_space<semaphore_mem>>) src(%dma_wait3A_342 : memref<64x128xf32, #tpu.memory_space<vmem>>) dst(%dma_wait3A_339 : memref<64x128xf32, #tpu.memory_space<hbm>>)
    %dma_wait3A_343 = arith.constant 3 : i32
    %dma_wait3A_344 = arith.constant 192 : i32
    %dma_wait3A_345 = arith.constant 0 : i32
    %dma_wait3A_346 = tpu.memref_slice %arg7[%dma_wait3A_344, %dma_wait3A_345] : memref<256x128xf32, #tpu.memory_space<vmem>> -> memref<64x128xf32, #tpu.memory_space<vmem>>
    %dma_wait3A_347 = arith.constant 0 : i32
    %dma_wait3A_348 = tpu.memref_slice %arg5[%add3A_290, %dma_wait3A_347] : memref<8192x128xf32, #tpu.memory_space<hbm>> -> memref<64x128xf32, #tpu.memory_space<hbm>>
    %dma_wait3A_349 = tpu.memref_slice %arg12[%dma_wait3A_343] : memref<4x!tpu.dma_semaphore, #tpu.memory_space<semaphore_mem>> -> memref<1x!tpu.dma_semaphore, #tpu.memory_space<semaphore_mem>>
    %dma_wait3A_350 = tpu.memref_squeeze %dma_wait3A_349 : memref<1x!tpu.dma_semaphore, #tpu.memory_space<semaphore_mem>> -> memref<!tpu.dma_semaphore, #tpu.memory_space<semaphore_mem>>
    %dma_wait3A_351 = arith.constant 0 : i32
    %dma_wait3A_352 = tpu.memref_slice %arg5[%add3A_290, %dma_wait3A_351] : memref<8192x128xf32, #tpu.memory_space<hbm>> -> memref<64x128xf32, #tpu.memory_space<hbm>>
    %dma_wait3A_353 = arith.constant 192 : i32
    %dma_wait3A_354 = arith.constant 0 : i32
    %dma_wait3A_355 = tpu.memref_slice %arg7[%dma_wait3A_353, %dma_wait3A_354] : memref<256x128xf32, #tpu.memory_space<vmem>> -> memref<64x128xf32, #tpu.memory_space<vmem>>
    tpu.wait_dma2 semaphore(%dma_wait3A_350 : memref<!tpu.dma_semaphore, #tpu.memory_space<semaphore_mem>>) src(%dma_wait3A_355 : memref<64x128xf32, #tpu.memory_space<vmem>>) dst(%dma_wait3A_352 : memref<64x128xf32, #tpu.memory_space<hbm>>)
    return
  }
}

</mosaic_0001>

<sc_bundles>
// kernel: kernel.3.cloned.1.call-start
scs
__scs_entry_jumppad:
0x0: {  	(pc) =	sbr.rel $0x88, $3  }
0x1: {  	(tag) =	ssettag $0x0;
	lr =	simm.s32 $0x1  }
0x2: {  	[smem:$0x3F9F] =	sst lr;
	_ =	strace $0xD0000000  }
0x3: {  	_ = 	snop  }
0x4: {  	_ = 	snop  }
0x5: {  	_ = 	snop  }
0x6: {  	_ = 	snop  }
0x7: {  	_ = 	snop  }
__scs_overlays_trampoline_lowered:
0x8: {  	[smem:$0x3FAE] =	sst s0  }
0x9: {  	[smem:$0x3FAF] =	sst s1  }
0xa: {  	[smem:$0x3FB0] =	sst s2  }
0xb: {  	[smem:$0x3FB1] =	sst s3  }
0xc: {  	[smem:$0x3FB2] =	sst s4  }
0xd: {  	[smem:$0x3FB3] =	sst s5  }
0xe: {  	[smem:$0x3FB4] =	sst s6  }
0xf: {  	[smem:$0x3FB5] =	sst s7  }
0x10: {  	[smem:$0x3FB6] =	sst s8  }
0x11: {  	[smem:$0x3FB7] =	sst s9;
	s0 =	simm.s32 @!p0 $0x0  }
0x12: {  	s1 =	sld [smem:$0x3F9D];
	s0 =	simm.s32 @p0 $0x1  }
0x13: {  	[smem:$0x3FB8] =	sst s0;
	s0 =	simm.s32 @!p1 $0x0  }
0x14: {  	s2 =	sld [smem:$0x3F9C];
	s0 =	simm.s32 @p1 $0x1  }
0x15: {  	[smem:$0x3FB9] =	sst s0;
	s0 =	simm.s32 @!p2 $0x0  }
0x16: {  	s3 =	sld [smem:$0x3FDB];
	s0 =	simm.s32 @p2 $0x1  }
0x17: {  	s4 =	simm.s32 $0x1BF5;
	[smem:$0x3FBB] =	sst s0  }
0x18: {  	s0 =	sld [smem:$0x3F9E];
	_ =	swait.ge [sflag:s4], $0x0  }
0x19: {  	s7 =	sld [smem:$0x3F9F]  }
0x1a: {  	s8 =	sadd.s32 $0xFFFFE003, lr  }
0x1b: {  	s9 =	sadd.s32 $0xFFFFFEF7, lr;
	s5 =	simm.s32 $0xFFFFFFFF;
	p2 =	slt.u32 s8, $0xFFFFF086  }
0x1c: {  	p1 =	slt.u32 s9, $0xF7A;
	s5 =	simm.s32 @!p2 $0x0  }
0x1d: {  	s5 =	simm.s32 @p1 $0x1;
	p0 =	seq.s32 s7, s2  }
0x1e: {  	s7 =	smul.u32 @!p0 $0xF7A, s2;
	p2 =	seq.s32 @!p0 s5, $0x0  }
0x1f: {  	s9 =	smul.u32 $0xF7A, s1;
	s8 =	simm.s32 @!p0 $0x1BF5;
	p2 =	por !p2, p0  }
0x20: {  	[sflag:s8] =	ssyncset.s32 @!p0 $0xFFFFF086;
	s6 =	sadd.s32 @!p0 s3, s7;
	s7 =	simm.s32 @!p0 $0x108  }
0x21: {  	s3 =	sadd.s32 s3, s9;
	s6 =	sadd.s32 @!p0 $0x88, s6;
	s7 =	simm.s32 @p2 $0x1082  }
0x22: {  	[simem:s7], [sflag:s8] =	dma.local @!p0 [hbm:s6], $0xF7A  }
0x23: {  	s9 =	sor.u32 $0xD0000000, s2;
	s6 =	simm.s32 $0x108;
	_ =	swait.ge @!p0 [sflag:s8], $0x0  }
0x24: {  	s3 =	sadd.s32 $0x88, s3;
	s6 =	simm.s32 @!p1 $0x1082;
	[sflag:s4] =	ssyncset.s32 $0xFFFFF086  }
0x25: {  	[simem:s6], [sflag:s4] =	dma.local [hbm:s3], $0xF7A  }
0x26: {  	[smem:$0x3F9F] =	sst s1;
	(tag) =	ssettag s2;
	_ =	strace s9  }
0x27: {  	s1 =	sld [smem:$0x3FAF]  }
0x28: {  	s2 =	sld [smem:$0x3FB0]  }
0x29: {  	s4 =	sld [smem:$0x3FB2]  }
0x2a: {  	p0 =	seq.s32 s5, $0x0;
	s5 =	sld [smem:$0x3FB3]  }
0x2b: {  	s6 =	sld [smem:$0x3FB4]  }
0x2c: {  	s7 =	sld [smem:$0x3FB5]  }
0x2d: {  	s3 =	simm.s32 $0x108;
	s8 =	sld [smem:$0x3FB6]  }
0x2e: {  	s3 =	simm.s32 @!p0 $0x1082;
	s9 =	sld [smem:$0x3FB7]  }
0x2f: {  	lr =	sadd.s32 s0, s3;
	s0 =	sld [smem:$0x3FAE]  }
0x30: {  	s3 =	sld [smem:$0x3FB1]  }
0x31: {  	[smem:$0x3FBA] =	sst s10  }
0x32: {  	s10 =	sld [smem:$0x3FB8];
	_ =	sdelay $0x3  }
0x33: {  	p0 =	seq.s32 s10, $0x1;
	s10 =	sld [smem:$0x3FBA];
	_ =	sdelay $0x3  }
0x34: {  	[smem:$0x3FBA] =	sst s10  }
0x35: {  	s10 =	sld [smem:$0x3FB9];
	_ =	sdelay $0x3  }
0x36: {  	p1 =	seq.s32 s10, $0x1;
	s10 =	sld [smem:$0x3FBA];
	_ =	sdelay $0x3  }
0x37: {  	[smem:$0x3FBA] =	sst s10  }
0x38: {  	s10 =	sld [smem:$0x3FBB]  }
0x39: {  	_ = 	snop;
	(pc) =	sbr.ind lr, $3  }
0x3a: {  	_ = 	snop  }
0x3b: {  	_ = 	snop  }
0x3c: {  	p2 =	seq.s32 s10, $0x1;
	s10 =	sld [smem:$0x3FBA]  }
0x3d: {  	_ =	shalt  }
0x3e: {  	_ =	shalt  }
0x3f: {  	_ =	shalt  }
0x40: {  	_ =	shalt  }
0x41: {  	_ =	shalt  }
0x42: {  	_ =	shalt  }
0x43: {  	_ =	shalt  }
0x44: {  	_ =	shalt  }
0x45: {  	_ =	shalt  }
0x46: {  	_ =	shalt  }
0x47: {  	_ =	shalt  }
0x48: {  	_ =	shalt  }
0x49: {  	_ =	shalt  }
0x4a: {  	_ =	shalt  }
0x4b: {  	_ =	shalt  }
0x4c: {  	_ =	shalt  }
0x4d: {  	_ =	shalt  }
0x4e: {  	_ =	shalt  }
0x4f: {  	_ =	shalt  }
0x50: {  	_ =	shalt  }
0x51: {  	_ =	shalt  }
0x52: {  	_ =	shalt  }
0x53: {  	_ =	shalt  }
0x54: {  	_ =	shalt  }
0x55: {  	_ =	shalt  }
0x56: {  	_ =	shalt  }
0x57: {  	_ =	shalt  }
0x58: {  	_ =	shalt  }
0x59: {  	_ =	shalt  }
0x5a: {  	_ =	shalt  }
0x5b: {  	_ =	shalt  }
0x5c: {  	_ =	shalt  }
0x5d: {  	_ =	shalt  }
0x5e: {  	_ =	shalt  }
0x5f: {  	_ =	shalt  }
0x60: {  	_ =	shalt  }
0x61: {  	_ =	shalt  }
0x62: {  	_ =	shalt  }
0x63: {  	_ =	shalt  }
0x64: {  	_ =	shalt  }
0x65: {  	_ =	shalt  }
0x66: {  	_ =	shalt  }
0x67: {  	_ =	shalt  }
0x68: {  	_ =	shalt  }
0x69: {  	_ =	shalt  }
0x6a: {  	_ =	shalt  }
0x6b: {  	_ =	shalt  }
0x6c: {  	_ =	shalt  }
0x6d: {  	_ =	shalt  }
0x6e: {  	_ =	shalt  }
0x6f: {  	_ =	shalt  }
0x70: {  	_ =	shalt  }
0x71: {  	_ =	shalt  }
0x72: {  	_ =	shalt  }
0x73: {  	_ =	shalt  }
0x74: {  	_ =	shalt  }
0x75: {  	_ =	shalt  }
0x76: {  	_ =	shalt  }
0x77: {  	_ =	shalt  }
0x78: {  	_ =	shalt  }
0x79: {  	_ =	shalt  }
0x7a: {  	_ =	shalt  }
0x7b: {  	_ =	shalt  }
0x7c: {  	_ =	shalt  }
0x7d: {  	_ =	shalt  }
0x7e: {  	_ =	shalt  }
0x7f: {  	_ =	shalt  }
0x80: {  	_ =	shalt  }
0x81: {  	_ =	shalt  }
0x82: {  	_ =	shalt  }
0x83: {  	_ =	shalt  }
0x84: {  	_ =	shalt  }
0x85: {  	_ =	shalt  }
0x86: {  	_ =	shalt  }
0x87: {  	_ =	shalt  }
.Lfunc_end0:
.L_simem_size_0:
called_computation_lowered:
.L_overlay_start_0:
0x88: {  	s2 =	sld [smem:$0x3FD9]  }
0x89: {  	s3 =	sld [smem:$0x3FFE];
	_ =	sdelay $0x1  }
0x8a: {  	s1 =	srdreg.scid  }
0x8b: {  	s0 =	sand.u32 $0x1, s1  }
0x8c: {  	s17 =	sshll.u32 s0, $0xA;
	s2 =	sadd.s32 s3, s2  }
0x8d: {  	s2 =	sadd.s32 s2, s17  }
0x8e: {  	[smem:$0x3FC6] =	sst s2  }
0x8f: {  	_ = 	snop  }
0x90: {  	s2 =	sld [smem:$0x3FC9]  }
0x91: {  	s18 =	sld [smem:$0x3FC8]  }
0x92: {  	s4 =	sld [smem:$0x3FD0];
	(tm) =	ssettm $0x1  }
0x93: {  	s5 =	sld [smem:$0x3FFB];
	_ =	sdelay $0x3  }
0x94: {  	_ =	strace s5  }
0x95: {  	s5 =	sld [smem:$0x3FFC];
	_ =	sdelay $0x3  }
0x96: {  	_ =	strace s5  }
0x97: {  	s5 =	sld [smem:$0x3FFD];
	_ =	sdelay $0x3  }
0x98: {  	_ =	strace s5  }
0x99: {  	_ =	strace $0x8FFFFFFF  }
0x9a: {  	s19 =	sld [smem:$0x3FDB];
	_ =	sdelay $0x1  }
0x9b: {  	s6 =	simm.s32 $_scs_section_size  }
0x9c: {  	s7 =	simm.s32 $_size__tile_overlayer_lowered;
	s8 =	simm.s32 $_tile_overlayer_lowered  }
0x9d: {  	s22 =	simm.s32 $0x1BFF;
	s21 =	sshll.u32 s8, $0x1;
	s5 =	sadd.s32 s6, s19  }
0x9e: {  	s9 =	simm.s32 $0x0;
	s20 =	sshll.u32 s7, $0x1;
	s7 =	sadd.s32 s21, s5  }
0x9f: {  	[timem:s9], [sflag:s22] =	dma.local [hbm:s7], s20  }
0xa0: {  	_ =	swait.ge [sflag:s22], s20  }
0xa1: {  	s6 =	ssub.s32 $0x0, s20;
	[sflag:s22] =	ssyncset.done $0x0  }
0xa2: {  	[sflag:s22] =	ssyncadd.s32 s6;
	_ =	sdelay $0x1  }
0xa3: {  	s23 =	simm.s32 $0x1B8B  }
0xa4: {  	_ =	swait.ge [sflag:s23], $0x1  }
0xa5: {  	[sflag:s23] =	ssyncset.done $0x0  }
0xa6: {  	s25 =	simm.s32 $0x1B8E;
	s24 =	sld [smem:$0x3FFE];
	[sflag:s23] =	ssyncadd.s32 $0xFFFFFFFF  }
0xa7: {  	s26 =	simm.s32 $execute0_lowered;
	[smem:$0x3FD2] =	sst s25  }
0xa8: {  	s7 =	sshll.u32 s26, $0x1;
	_ =	strace $0x80000046;
	[dreg:$0x1] =	wrdreg $0xFFFFFFFF  }
0xa9: {  	s28 =	simm.s32 $_size_execute0_lowered;
	s5 =	sadd.s32 s5, s7;
	[dreg:$0x0] =	wrdreg $0x0  }
0xaa: {  	s7 =	sshll.u32 s28, $0x1;
	[dreg:$0x2] =	wrdreg s5  }
0xab: {  	[dreg:$0x3] =	wrdreg s7  }
0xac: {  	[dreg:$0x4] =	wrdreg $0xC0  }
0xad: {  	_ =	task [dreg:s9], $0x5FFFF  }
0xae: {  	[dreg:$0x1] =	wrdreg $0xFFFFFFFF  }
0xaf: {  	[dreg:$0x0] =	wrdreg $0x60  }
0xb0: {  	[dreg:$0x2] =	wrdreg s2  }
0xb1: {  	[dreg:$0x3] =	wrdreg s24  }
0xb2: {  	[dreg:$0x4] =	wrdreg s18  }
0xb3: {  	[dreg:$0x5] =	wrdreg s4  }
0xb4: {  	[dreg:$0x6] =	wrdreg $0x9  }
0xb5: {  	_ =	task.clear_ibuf [dreg:s9], $0x7FFFF;
	_ =	strace $0x90000046  }
0xb6: {  	s29 =	simm.s32 $0x9;
	_ =	strace $0x80000048  }
0xb7: {  	_ =	swait.ge [sflag:s29], $0x1  }
0xb8: {  	[sflag:s29] =	ssyncadd.s32 $0xFFFFFFFF  }
0xb9: {  	_ =	strace $0x90000048  }
0xba: {  	_ =	sfence  }
0xbb: {  	s30 =	sld [smem:$0x0];
	_ =	sdelay $0x2  }
0xbc: {  	s31 =	sshll.u32 s1, $0xD;
	s1 =	sshrl.u32 s1, $0x2  }
0xbd: {  	s3 =	sand.u32 $0x4000, s31;
	s1 =	sadd.s32 s1, s30  }
0xbe: {  	s0 =	sor.u32 s3, s0;
	s1 =	sshll.u32 s1, $0x11  }
0xbf: {  	s0 =	sor.u32 s1, s0  }
0xc0: {  	s0 =	sadd.s32 $0x8F2B, s0  }
0xc1: {  	[sflag:s0] =	ssyncadd.remote.s32 $0x1  }
0xc2: {  	_ =	sfence.sel $0xFFFF  }
0xc3: {  	[dreg:$0x0] =	wrdreg $0xFFFFFFFF;
	(pc) =	sbr.abs _section_cstart, $3  }
0xc4: {  	[dreg:$0x1] =	wrdreg $0xFFFFFFFF  }
0xc5: {  	_ =	task.clear_ibuf [dreg:s9], $0x2FFFF;
	_ =	strace $0x9FFFFFFF  }
0xc6: {  	(tm) =	ssettm $0x7FFFFFFF  }
0xc7: {  	_ =	shalt  }
tec
execute0_lowered:
.L_overlay_start_1:
0x0: {  	(tag) =	ssettag $0x1  }
0x1: {  	s0 =	rddreg [dreg:$0x0]  }
0x2: {  	s5 =	rddreg [dreg:$0x1]  }
0x3: {  	s1 =	srdreg.scid;
	s2 =	rddreg [dreg:$0x2]  }
0x4: {  	s3 =	stileid.u32;
	s6 =	rddreg [dreg:$0x3]  }
0x5: {  	s18 =	simm.s32 $0x1;
	s19 =	simm.s32 $0x40;
	s20 =	simm.s32 $0x200  }
0x6: {  	s21 =	simm.s32 $0x2;
	s22 =	simm.s32 $0x2200;
	s23 =	simm.s32 $0x3  }
0x7: {  	s28 =	simm.s32 $0x5;
	s29 =	simm.s32 $0x6;
	s30 =	simm.s32 $0x7  }
0x8: {  	s31 =	simm.s32 $0x8;
	s17 =	simm.s32 $0xB;
	s1 =	sand.u32 $0x1, s1  }
0x9: {  	s16 =	simm.s32 $0x8200;
	s3 =	sshll.u32 s3, $0x7;
	s4 =	sshll.u32 s1, $0x6  }
0xa: {  	s1 =	ssub.s32 $0x2, s1;
	s7 =	sor.u32 s4, s3;
	s3 =	simm.s32 $0x0  }
0xb: {  	s10 =	sshrl.u32 s1, $0x1;
	s8 =	sshll.u32 s7, $0x2;
	[smem:$0x7FF] =	sst s3  }
0xc: {  	s1 =	ssub.s32 s1, s10;
	s7 =	sshll.u32 s7, $0x4;
	s9 =	sand.u32 $0x1E00, s8  }
0xd: {  	_ =	strace $0x80000047;
	s8 =	sor.u32 s4, s8;
	s9 =	sor.u32 s4, s9  }
0xe: {  	s25 =	sadd.s32 s5, s7;
	s13 =	smax.u32 s1, $0x1;
	s9 =	sshrl.u32 s9, $0x3  }
0xf: {  	s1 =	simm.s32 $0x9;
	s8 =	sshrl.u32 s8, $0x3;
	s4 =	sadd.s32 s0, s9  }
0x10: {  	[dreg:$0x8] =	wrdreg s25;
	s24 =	sor.u32 $0x20, s8;
	s9 =	sadd.s32 $0x10, s4  }
0x11: {  	s8 =	sor.u32 $0x30, s8;
	[dreg:$0x5] =	wrdreg s9;
	s9 =	sadd.s32 s0, s24  }
0x12: {  	s5 =	simm.s32 $0xC;
	s0 =	sadd.s32 s0, s8;
	[dreg:$0x6] =	wrdreg s9  }
0x13: {  	s25 =	simm.s32 $0x4;
	s24 =	simm.s32 $0x4200;
	[dreg:$0x7] =	wrdreg s0  }
0x14: {  	s9 =	sadd.s32 s6, s7;
	s0 =	simm.s32 $0xA;
	s6 =	simm.s32 $0xD  }
0x15: {  	s7 =	simm.s32 $0x0;
	s26 =	sadd.s32 $0x8000, s9;
	s11 =	sadd.s32 $0x10000, s9  }
0x16: {  	s12 =	sadd.s32 $0x18000, s9;
	[dreg:$0x9] =	wrdreg s26;
	s26 =	simm.s32 $0x6200  }
.LBB2_1:
0x17: {  	[tilespmem:s3], [sflag:$0x1] =	stream.linear.gather [hbm4b:s4+s3], $0x40, $0x38;
	[tilespmem:$0xA200] =	vst v63  }
0x18: {  	s8 =	rddreg [dreg:$0x5];
	s14 =	simm.s32 $0x80  }
0x19: {  	[tilespmem:s14], [sflag:$0x2] =	stream.linear.gather [hbm4b:s8+s3], $0x40, $0x38;
	[tilespmem:$0xA200] =	vst v63  }
0x1a: {  	s10 =	rddreg [dreg:$0x6];
	s15 =	simm.s32 $0x100  }
0x1b: {  	[tilespmem:s15], [sflag:$0x3] =	stream.linear.gather [hbm4b:s10+s3], $0x40, $0x38;
	[tilespmem:$0xA200] =	vst v63  }
0x1c: {  	s8 =	rddreg [dreg:$0x7];
	s10 =	simm.s32 $0x180  }
0x1d: {  	[tilespmem:s10], [sflag:$0x4] =	stream.linear.gather [hbm4b:s8+s3], $0x40, $0x38;
	[tilespmem:$0xA200] =	vst v63  }
0x1e: {  	s8 =	rddreg [dreg:$0x8]  }
0x1f: {  	[tilespmem:s16], [sflag:$0x5] =	stream.linear.gather [hbm4b:s8+s3], $0x2000, $0x38;
	[tilespmem:$0xA200] =	vst v63  }
0x20: {  	_ =	swait.ge [sflag:s18], $0x40  }
0x21: {  	[sflag:s18] =	ssyncset.done $0x0  }
0x22: {  	[sflag:s18] =	ssyncadd.s32 $0xFFFFFFC0  }
0x23: {  	[tilespmem:s20], [sflag:$0x6] =	stream.indirect.gather [hbm4b:s2+s19], $0x80, s3, s19, $0xb8;
	[tilespmem:$0xA200] =	vst v63  }
0x24: {  	_ =	swait.ge [sflag:s21], $0x40  }
0x25: {  	[sflag:s21] =	ssyncset.done $0x0  }
0x26: {  	[sflag:s21] =	ssyncadd.s32 $0xFFFFFFC0  }
0x27: {  	[tilespmem:s22], [sflag:$0x7] =	stream.indirect.gather [hbm4b:s2+s19], $0x80, s14, s19, $0xb8;
	[tilespmem:$0xA200] =	vst v63  }
0x28: {  	_ =	swait.ge [sflag:s23], $0x40  }
0x29: {  	[sflag:s23] =	ssyncset.done $0x0  }
0x2a: {  	[sflag:s23] =	ssyncadd.s32 $0xFFFFFFC0  }
0x2b: {  	[tilespmem:s24], [sflag:$0x8] =	stream.indirect.gather [hbm4b:s2+s19], $0x80, s15, s19, $0xb8;
	[tilespmem:$0xA200] =	vst v63  }
0x2c: {  	_ =	swait.ge [sflag:s25], $0x40  }
0x2d: {  	[sflag:s25] =	ssyncset.done $0x0  }
0x2e: {  	[sflag:s25] =	ssyncadd.s32 $0xFFFFFFC0  }
0x2f: {  	[tilespmem:s26], [sflag:$0x9] =	stream.indirect.gather [hbm4b:s2+s19], $0x80, s10, s19, $0xb8;
	[tilespmem:$0xA200] =	vst v63  }
0x30: {  	_ =	swait.ge [sflag:s28], $0x2000  }
0x31: {  	[sflag:s28] =	ssyncset.done $0x0  }
0x32: {  	[sflag:s28] =	ssyncadd.s32 $0xFFFFE000  }
0x33: {  	_ =	swait.ge [sflag:s29], $0x2000  }
0x34: {  	[sflag:s29] =	ssyncset.done $0x0  }
0x35: {  	[sflag:s29] =	ssyncadd.s32 $0xFFFFE000  }
0x36: {  	_ =	swait.ge [sflag:s30], $0x2000  }
0x37: {  	[sflag:s30] =	ssyncset.done $0x0  }
0x38: {  	s14 =	simm.s32 $0x0;
	[sflag:s30] =	ssyncadd.s32 $0xFFFFE000  }
0x39: {  	v3 =	vld [tilespmem:s14+$0x8200]  }
0x3a: {  	v4 =	vld [tilespmem:s14+$0x8210]  }
0x3b: {  	v5 =	vld [tilespmem:s14+$0x8220]  }
0x3c: {  	v6 =	vld [tilespmem:s14+$0x8230]  }
0x3d: {  	v7 =	vld [tilespmem:s14+$0x8240]  }
0x3e: {  	v2 =	vld [tilespmem:s14+$0x8250]  }
0x3f: {  	v1 =	vld [tilespmem:s14+$0x8260]  }
0x40: {  	v0 =	vld [tilespmem:s14+$0x8270]  }
0x41: {  	v8 =	vld [tilespmem:s14+$0x200]  }
0x42: {  	v9 =	vld [tilespmem:s14+$0x2200]  }
0x43: {  	v10 =	vld [tilespmem:s14+$0x210]  }
0x44: {  	v11 =	vld [tilespmem:s14+$0x2210]  }
0x45: {  	v12 =	vld [tilespmem:s14+$0x220]  }
0x46: {  	v13 =	vld [tilespmem:s14+$0x2220];
	v8 =	vadd.f32 v8, v3  }
0x47: {  	v14 =	vld [tilespmem:s14+$0x230];
	v3 =	vadd.f32 v9, v3  }
0x48: {  	v9 =	vadd.f32 v10, v4;
	[tilespmem:s14+$0x200] =	vst v8;
	v8 =	vld [tilespmem:s14+$0x2230]  }
0x49: {  	v10 =	vld [tilespmem:s14+$0x240];
	[tilespmem:s14+$0x2200] =	vst v3;
	v3 =	vadd.f32 v11, v4  }
0x4a: {  	[tilespmem:s14+$0x210] =	vst v9;
	v11 =	vld [tilespmem:s14+$0x2240];
	v9 =	vadd.f32 v12, v5  }
0x4b: {  	v4 =	vld [tilespmem:s14+$0x250];
	v5 =	vadd.f32 v13, v5;
	[tilespmem:s14+$0x2210] =	vst v3  }
0x4c: {  	[tilespmem:s14+$0x220] =	vst v9;
	v3 =	vld [tilespmem:s14+$0x2250];
	v9 =	vadd.f32 v14, v6  }
0x4d: {  	[tilespmem:s14+$0x2220] =	vst v5;
	v5 =	vld [tilespmem:s14+$0x260];
	v8 =	vadd.f32 v8, v6  }
0x4e: {  	[tilespmem:s14+$0x230] =	vst v9;
	v9 =	vadd.f32 v10, v7;
	v6 =	vld [tilespmem:s14+$0x2260]  }
0x4f: {  	s8 =	simm.s32 $0x200;
	[tilespmem:s14+$0x2230] =	vst v8;
	v8 =	vadd.f32 v11, v7;
	v7 =	vld [tilespmem:s14+$0x270]  }
.LBB2_2:
0x50: {  	s15 =	sshra.s32 s8, $0x2;
	p0 =	sne.s32 s8, $0x7E00;
	[tilespmem:s14+$0x240] =	vst v9;
	v4 =	vadd.f32 v4, v2;
	v9 =	vld [tilespmem:s14+$0x2270]  }
0x51: {  	v10 =	vld [tilespmem:s15+$0x8200];
	[tilespmem:s14+$0x2240] =	vst v8;
	v2 =	vadd.f32 v3, v2  }
0x52: {  	v3 =	vld [tilespmem:s15+$0x8210];
	[tilespmem:s14+$0x250] =	vst v4;
	v4 =	vadd.f32 v5, v1  }
0x53: {  	v5 =	vld [tilespmem:s15+$0x8220];
	[tilespmem:s14+$0x2250] =	vst v2;
	v1 =	vadd.f32 v6, v1  }
0x54: {  	v6 =	vld [tilespmem:s15+$0x8230];
	[tilespmem:s14+$0x260] =	vst v4;
	v4 =	vadd.f32 v7, v0  }
0x55: {  	v7 =	vld [tilespmem:s15+$0x8240];
	[tilespmem:s14+$0x2260] =	vst v1;
	v0 =	vadd.f32 v9, v0  }
0x56: {  	v2 =	vld [tilespmem:s15+$0x8250];
	[tilespmem:s14+$0x270] =	vst v4  }
0x57: {  	v1 =	vld [tilespmem:s15+$0x8260];
	[tilespmem:s14+$0x2270] =	vst v0;
	s14 =	smov.u32 s15  }
0x58: {  	v0 =	vld [tilespmem:s14+$0x8270]  }
0x59: {  	v4 =	vld [tilespmem:s14+$0x200]  }
0x5a: {  	v8 =	vld [tilespmem:s14+$0x2200]  }
0x5b: {  	v9 =	vld [tilespmem:s14+$0x210]  }
0x5c: {  	v11 =	vld [tilespmem:s14+$0x2210]  }
0x5d: {  	v12 =	vld [tilespmem:s14+$0x220]  }
0x5e: {  	v4 =	vadd.f32 v4, v10;
	v13 =	vld [tilespmem:s14+$0x2220]  }
0x5f: {  	v8 =	vadd.f32 v8, v10;
	v10 =	vld [tilespmem:s14+$0x230]  }
0x60: {  	[tilespmem:s14+$0x200] =	vst v4;
	v4 =	vadd.f32 v9, v3;
	v9 =	vld [tilespmem:s14+$0x2230]  }
0x61: {  	[tilespmem:s14+$0x2200] =	vst v8;
	v3 =	vadd.f32 v11, v3;
	v8 =	vld [tilespmem:s14+$0x240]  }
0x62: {  	[tilespmem:s14+$0x210] =	vst v4;
	v11 =	vadd.f32 v12, v5;
	v12 =	vld [tilespmem:s14+$0x2240]  }
.Ltmp0:
0x63: {  	[tilespmem:s14+$0x2210] =	vst v3;
	v5 =	vadd.f32 v13, v5;
	v4 =	vld [tilespmem:s14+$0x250];
	(pc) =	sbr.rel @p0 .LBB2_2-.Ltmp0, $4  }
0x64: {  	[tilespmem:s14+$0x220] =	vst v11;
	v10 =	vadd.f32 v10, v6;
	v3 =	vld [tilespmem:s14+$0x2250]  }
0x65: {  	[tilespmem:s14+$0x2220] =	vst v5;
	v11 =	vadd.f32 v9, v6;
	v5 =	vld [tilespmem:s14+$0x260]  }
0x66: {  	[tilespmem:s14+$0x230] =	vst v10;
	v9 =	vadd.f32 v8, v7;
	v6 =	vld [tilespmem:s14+$0x2260]  }
0x67: {  	s8 =	sadd.s32 $0x200, s8;
	[tilespmem:s14+$0x2230] =	vst v11;
	v8 =	vadd.f32 v12, v7;
	v7 =	vld [tilespmem:s14+$0x270]  }
0x68: {  	[tilespmem:s14+$0x240] =	vst v9;
	v4 =	vadd.f32 v4, v2;
	v9 =	vld [tilespmem:s14+$0x2270]  }
0x69: {  	[tilespmem:s14+$0x2240] =	vst v8;
	v2 =	vadd.f32 v3, v2  }
0x6a: {  	[tilespmem:s14+$0x250] =	vst v4;
	v3 =	vadd.f32 v5, v1  }
0x6b: {  	[tilespmem:s14+$0x2250] =	vst v2;
	v1 =	vadd.f32 v6, v1  }
0x6c: {  	[tilespmem:s14+$0x260] =	vst v3;
	v2 =	vadd.f32 v7, v0  }
0x6d: {  	[tilespmem:s14+$0x2260] =	vst v1;
	v0 =	vadd.f32 v9, v0  }
0x6e: {  	[tilespmem:s14+$0x270] =	vst v2  }
0x6f: {  	s8 =	simm.s32 $0x0;
	[tilespmem:s14+$0x2270] =	vst v0  }
0x70: {  	[hbm4b:s9+s8] =	stream.linear.scatter [tilespmem:s20], [sflag:$0xA], $0x2000, $0x38;
	[tilespmem:$0xA200] =	vst v63  }
0x71: {  	s10 =	rddreg [dreg:$0x9]  }
0x72: {  	[hbm4b:s10+s8] =	stream.linear.scatter [tilespmem:s22], [sflag:$0xB], $0x2000, $0x38;
	[tilespmem:$0xA200] =	vst v63  }
0x73: {  	_ =	swait.ge [sflag:s31], $0x2000  }
0x74: {  	[sflag:s31] =	ssyncset.done $0x0  }
0x75: {  	[sflag:s31] =	ssyncadd.s32 $0xFFFFE000  }
0x76: {  	_ =	swait.ge [sflag:s1], $0x2000  }
0x77: {  	[sflag:s1] =	ssyncset.done $0x0  }
0x78: {  	s14 =	simm.s32 $0x0;
	[sflag:s1] =	ssyncadd.s32 $0xFFFFE000  }
0x79: {  	v3 =	vld [tilespmem:s14+$0x8200]  }
0x7a: {  	v4 =	vld [tilespmem:s14+$0x8210]  }
0x7b: {  	v5 =	vld [tilespmem:s14+$0x8220]  }
0x7c: {  	v6 =	vld [tilespmem:s14+$0x8230]  }
0x7d: {  	v7 =	vld [tilespmem:s14+$0x8240]  }
0x7e: {  	v2 =	vld [tilespmem:s14+$0x8250]  }
0x7f: {  	v1 =	vld [tilespmem:s14+$0x8260]  }
0x80: {  	v0 =	vld [tilespmem:s14+$0x8270]  }
0x81: {  	v8 =	vld [tilespmem:s14+$0x4200]  }
0x82: {  	v9 =	vld [tilespmem:s14+$0x6200]  }
0x83: {  	v10 =	vld [tilespmem:s14+$0x4210]  }
0x84: {  	v11 =	vld [tilespmem:s14+$0x6210]  }
0x85: {  	v12 =	vld [tilespmem:s14+$0x4220]  }
0x86: {  	v13 =	vld [tilespmem:s14+$0x6220];
	v8 =	vadd.f32 v8, v3  }
0x87: {  	v14 =	vld [tilespmem:s14+$0x4230];
	v3 =	vadd.f32 v9, v3  }
0x88: {  	v9 =	vadd.f32 v10, v4;
	[tilespmem:s14+$0x4200] =	vst v8;
	v8 =	vld [tilespmem:s14+$0x6230]  }
0x89: {  	v10 =	vld [tilespmem:s14+$0x4240];
	[tilespmem:s14+$0x6200] =	vst v3;
	v3 =	vadd.f32 v11, v4  }
0x8a: {  	[tilespmem:s14+$0x4210] =	vst v9;
	v11 =	vld [tilespmem:s14+$0x6240];
	v9 =	vadd.f32 v12, v5  }
0x8b: {  	v4 =	vld [tilespmem:s14+$0x4250];
	v5 =	vadd.f32 v13, v5;
	[tilespmem:s14+$0x6210] =	vst v3  }
0x8c: {  	[tilespmem:s14+$0x4220] =	vst v9;
	v3 =	vld [tilespmem:s14+$0x6250];
	v9 =	vadd.f32 v14, v6  }
0x8d: {  	[tilespmem:s14+$0x6220] =	vst v5;
	v5 =	vld [tilespmem:s14+$0x4260];
	v8 =	vadd.f32 v8, v6  }
0x8e: {  	[tilespmem:s14+$0x4230] =	vst v9;
	v9 =	vadd.f32 v10, v7;
	v6 =	vld [tilespmem:s14+$0x6260]  }
0x8f: {  	s8 =	simm.s32 $0x200;
	[tilespmem:s14+$0x6230] =	vst v8;
	v8 =	vadd.f32 v11, v7;
	v7 =	vld [tilespmem:s14+$0x4270]  }
.LBB2_4:
0x90: {  	s15 =	sshra.s32 s8, $0x2;
	p0 =	sne.s32 s8, $0x7E00;
	[tilespmem:s14+$0x4240] =	vst v9;
	v4 =	vadd.f32 v4, v2;
	v9 =	vld [tilespmem:s14+$0x6270]  }
0x91: {  	v10 =	vld [tilespmem:s15+$0x8200];
	[tilespmem:s14+$0x6240] =	vst v8;
	v2 =	vadd.f32 v3, v2  }
0x92: {  	v3 =	vld [tilespmem:s15+$0x8210];
	[tilespmem:s14+$0x4250] =	vst v4;
	v4 =	vadd.f32 v5, v1  }
0x93: {  	v5 =	vld [tilespmem:s15+$0x8220];
	[tilespmem:s14+$0x6250] =	vst v2;
	v1 =	vadd.f32 v6, v1  }
0x94: {  	v6 =	vld [tilespmem:s15+$0x8230];
	[tilespmem:s14+$0x4260] =	vst v4;
	v4 =	vadd.f32 v7, v0  }
0x95: {  	v7 =	vld [tilespmem:s15+$0x8240];
	[tilespmem:s14+$0x6260] =	vst v1;
	v0 =	vadd.f32 v9, v0  }
0x96: {  	v2 =	vld [tilespmem:s15+$0x8250];
	[tilespmem:s14+$0x4270] =	vst v4  }
0x97: {  	v1 =	vld [tilespmem:s15+$0x8260];
	[tilespmem:s14+$0x6270] =	vst v0;
	s14 =	smov.u32 s15  }
0x98: {  	v0 =	vld [tilespmem:s14+$0x8270]  }
0x99: {  	v4 =	vld [tilespmem:s14+$0x4200]  }
0x9a: {  	v8 =	vld [tilespmem:s14+$0x6200]  }
0x9b: {  	v9 =	vld [tilespmem:s14+$0x4210]  }
0x9c: {  	v11 =	vld [tilespmem:s14+$0x6210]  }
0x9d: {  	v12 =	vld [tilespmem:s14+$0x4220]  }
0x9e: {  	v4 =	vadd.f32 v4, v10;
	v13 =	vld [tilespmem:s14+$0x6220]  }
0x9f: {  	v8 =	vadd.f32 v8, v10;
	v10 =	vld [tilespmem:s14+$0x4230]  }
0xa0: {  	[tilespmem:s14+$0x4200] =	vst v4;
	v4 =	vadd.f32 v9, v3;
	v9 =	vld [tilespmem:s14+$0x6230]  }
0xa1: {  	[tilespmem:s14+$0x6200] =	vst v8;
	v3 =	vadd.f32 v11, v3;
	v8 =	vld [tilespmem:s14+$0x4240]  }
0xa2: {  	[tilespmem:s14+$0x4210] =	vst v4;
	v11 =	vadd.f32 v12, v5;
	v12 =	vld [tilespmem:s14+$0x6240]  }
.Ltmp1:
0xa3: {  	[tilespmem:s14+$0x6210] =	vst v3;
	v5 =	vadd.f32 v13, v5;
	v4 =	vld [tilespmem:s14+$0x4250];
	(pc) =	sbr.rel @p0 .LBB2_4-.Ltmp1, $4  }
0xa4: {  	[tilespmem:s14+$0x4220] =	vst v11;
	v10 =	vadd.f32 v10, v6;
	v3 =	vld [tilespmem:s14+$0x6250]  }
0xa5: {  	[tilespmem:s14+$0x6220] =	vst v5;
	v11 =	vadd.f32 v9, v6;
	v5 =	vld [tilespmem:s14+$0x4260]  }
0xa6: {  	[tilespmem:s14+$0x4230] =	vst v10;
	v9 =	vadd.f32 v8, v7;
	v6 =	vld [tilespmem:s14+$0x6260]  }
0xa7: {  	s8 =	sadd.s32 $0x200, s8;
	[tilespmem:s14+$0x6230] =	vst v11;
	v8 =	vadd.f32 v12, v7;
	v7 =	vld [tilespmem:s14+$0x4270]  }
0xa8: {  	[tilespmem:s14+$0x4240] =	vst v9;
	v4 =	vadd.f32 v4, v2;
	v58 =	vld [tilespmem:s14+$0x6270]  }
0xa9: {  	[tilespmem:s14+$0x6240] =	vst v8;
	v59 =	vadd.f32 v3, v2  }
0xaa: {  	[tilespmem:s14+$0x4250] =	vst v4;
	v60 =	vadd.f32 v5, v1  }
0xab: {  	[tilespmem:s14+$0x6250] =	vst v59;
	v61 =	vadd.f32 v6, v1  }
0xac: {  	[tilespmem:s14+$0x4260] =	vst v60;
	v62 =	vadd.f32 v7, v0  }
0xad: {  	[tilespmem:s14+$0x6260] =	vst v61;
	v63 =	vadd.f32 v58, v0  }
0xae: {  	[tilespmem:s14+$0x4270] =	vst v62  }
0xaf: {  	[tilespmem:s14+$0x6270] =	vst v63  }
0xb0: {  	[hbm4b:s11+s3] =	stream.linear.scatter [tilespmem:s24], [sflag:$0xC], $0x2000, $0x38;
	[tilespmem:$0xA200] =	vst v63  }
0xb1: {  	_ = 	snop  }
0xb2: {  	[hbm4b:s12+s3] =	stream.linear.scatter [tilespmem:s26], [sflag:$0xD], $0x2000, $0x38;
	[tilespmem:$0xA200] =	vst v63  }
0xb3: {  	_ =	swait.ge [sflag:s0], $0x2000  }
0xb4: {  	[sflag:s0] =	ssyncset.done $0x0  }
0xb5: {  	[sflag:s0] =	ssyncadd.s32 $0xFFFFE000  }
0xb6: {  	_ =	swait.ge [sflag:s17], $0x2000  }
0xb7: {  	[sflag:s17] =	ssyncset.done $0x0  }
0xb8: {  	s7 =	sadd.s32 $0x1, s7;
	[sflag:s17] =	ssyncadd.s32 $0xFFFFE000  }
0xb9: {  	p0 =	sne.s32 s7, s13;
	_ =	swait.ge [sflag:s5], $0x2000  }
.Ltmp2:
0xba: {  	[sflag:s5] =	ssyncset.done $0x0;
	(pc) =	sbr.rel @p0 .LBB2_1-.Ltmp2, $4  }
0xbb: {  	[sflag:s5] =	ssyncadd.s32 $0xFFFFE000  }
0xbc: {  	_ =	swait.ge [sflag:s6], $0x2000  }
0xbd: {  	[sflag:s6] =	ssyncset.done $0x0  }
0xbe: {  	[sflag:s6] =	ssyncadd.s32 $0xFFFFE000  }
0xbf: {  	_ =	sfence.sel $0x180000  }
0xc0: {  	[bflag:$0x0] =	sbarrier.arrive $0xFFFF  }
0xc1: {  	_ =	strace $0x90000047  }
0xc2: {  	s0 =	stileid.u32;
	[bflag:$0x2] =	sbarrier.arrive $0xFFFF  }
0xc3: {  	p0 =	sne.s32 s0, $0x0;
	s0 =	rddreg [dreg:$0x4]  }
0xc4: {  	s0 =	sadd.s32 @!p0 $0x100000, s0  }
0xc5: {  	[sflag:s0] =	ssyncadd.tile.s32 @!p0 $0x1;
	_ =	shalt  }
.Lfunc_end2:
_tile_overlayer_lowered:
.L_overlay_start_2:
0xc6: {  	(tag) =	ssettag $0x2  }
0xc7: {  	s0 =	rddreg [dreg:$0x0];
	s2 =	stileid.u32  }
0xc8: {  	s1 =	rddreg [dreg:$0x1];
	p0 =	sne.s32 s2, $0x0  }
0xc9: {  	s3 =	rddreg [dreg:$0x2];
	[bflag:$0x3] =	sbarrier.arrive $0xFFFF;
	s2 =	simm.s32 @!p0 $0x1C0E  }
0xca: {  	[timem:s3], [sflag:s2] =	dma.local @!p0 [hbm:s0], s1  }
0xcb: {  	s0 =	simm.s32 @!p0 $0xE  }
0xcc: {  	_ =	swait.ge @!p0 [sflag:s0], s1  }
0xcd: {  	s1 =	ssub.s32 @!p0 $0x0, s1;
	[sflag:s0] =	ssyncset.done @!p0 $0x0  }
0xce: {  	[sflag:s0] =	ssyncadd.s32 @!p0 s1  }
0xcf: {  	[bflag:$0x3] =	sbarrier.arrive $0xFFFF  }
0xd0: {  	_ =	shalt  }

</sc_bundles>
